<compile_context>
chip_gen: v7x
topology: tpu7x:2x2x1
jax: 0.10.2.dev20260603
libtpu: 0.0.44.dev20260713+nightly
codegen_flags: <defaults>
</compile_context>

<pallas_src>
import functools

import jax
import jax.numpy as jnp
from jax import lax
from jax.experimental import pallas as pl
from jax.experimental.pallas import tpu as pltpu
from jax.experimental.pallas import tpu_sc as plsc

N = 16777216
K = 65536
NW = 32
PER_TILE = N // NW
CH = 16384
NCH = PER_TILE // CH
B1 = 65536
B2 = 32768
ROWS = N // 128
GR = 32
BROWS = ROWS // GR

_MESH = plsc.VectorSubcoreMesh(
    core_axis_name="c", subcore_axis_name="s", num_cores=2, num_subcores=16)
_SC_PARAMS = pltpu.CompilerParams(needs_layout_passes=False)


def _coarse_hist_body(w_hbm, out_hbm, hist_v, buf0, buf1, sem0, sem1):
    wid = lax.axis_index("s") * 2 + lax.axis_index("c")

    @plsc.parallel_loop(0, B1 // 128, unroll=4)
    def _zero(r):
        for j in range(8):
            hist_v[r, pl.ds(j * 16, 16)] = jnp.zeros((16,), jnp.int32)

    ones = jnp.ones((16,), jnp.int32)
    base = wid * PER_TILE
    bufs = (buf0, buf1)
    sems = (sem0, sem1)
    pltpu.async_copy(w_hbm.at[pl.ds(base, CH)], buf0, sem0)
    pltpu.async_copy(w_hbm.at[pl.ds(base + CH, CH)], buf1, sem1)

    @pl.loop(0, NCH, step=2)
    def _chunks(ci):
        for b in range(2):
            buf, sem = bufs[b], sems[b]
            pltpu.make_async_copy(w_hbm.at[pl.ds(0, CH)], buf, sem).wait()

            @plsc.parallel_loop(0, CH // 16, unroll=16)
            def _vec(j):
                bits = plsc.bitcast(buf[pl.ds(j * 16, 16)], jnp.int32)
                babs = jnp.bitwise_and(bits, jnp.int32(0x7FFFFFFF))
                bkt = lax.shift_right_logical(babs, 15)
                plsc.addupdate_scatter(
                    hist_v,
                    [lax.shift_right_logical(bkt, 7),
                     jnp.bitwise_and(bkt, jnp.int32(127))],
                    ones)

            nxt = ci + 2 + b

            @pl.when(nxt < NCH)
            def _():
                pltpu.async_copy(
                    w_hbm.at[pl.ds(base + nxt * CH, CH)], buf, sem)

    pltpu.sync_copy(hist_v, out_hbm.at[pl.ds(wid * (B1 // 128), B1 // 128)])


_coarse_hist = functools.partial(
    pl.kernel,
    out_type=jax.ShapeDtypeStruct((NW * (B1 // 128), 128), jnp.int32),
    mesh=_MESH,
    scratch_types=[
        pltpu.VMEM((B1 // 128, 128), jnp.int32),
        pltpu.VMEM((CH,), jnp.float32),
        pltpu.VMEM((CH,), jnp.float32),
        pltpu.SemaphoreType.DMA,
        pltpu.SemaphoreType.DMA,
    ],
    compiler_params=_SC_PARAMS,
)(_coarse_hist_body)


def _fine_hist_body(w_hbm, params_hbm, out_hbm, hist_v, buf0, buf1, b_v,
                    sem0, sem1):
    wid = lax.axis_index("s") * 2 + lax.axis_index("c")
    pltpu.sync_copy(params_hbm.at[pl.ds(0, 16)], b_v)
    bvec = b_v[pl.ds(0, 16)]

    @plsc.parallel_loop(0, B2 // 128, unroll=4)
    def _zero(r):
        for j in range(8):
            hist_v[r, pl.ds(j * 16, 16)] = jnp.zeros((16,), jnp.int32)

    ones = jnp.ones((16,), jnp.int32)
    base = wid * PER_TILE
    bufs = (buf0, buf1)
    sems = (sem0, sem1)
    pltpu.async_copy(w_hbm.at[pl.ds(base, CH)], buf0, sem0)
    pltpu.async_copy(w_hbm.at[pl.ds(base + CH, CH)], buf1, sem1)

    @pl.loop(0, NCH, step=2)
    def _chunks(ci):
        for b in range(2):
            buf, sem = bufs[b], sems[b]
            pltpu.make_async_copy(w_hbm.at[pl.ds(0, CH)], buf, sem).wait()

            base_bits = lax.shift_left(bvec, 15)

            @plsc.parallel_loop(0, CH // 16, unroll=16)
            def _vec(j):
                bits = plsc.bitcast(buf[pl.ds(j * 16, 16)], jnp.int32)
                babs = jnp.bitwise_and(bits, jnp.int32(0x7FFFFFFF))
                rel = babs - base_bits
                inb = jnp.bitwise_and(rel, jnp.int32(~0x7FFF)) == 0
                low = jnp.bitwise_and(rel, jnp.int32(0x7FFF))
                plsc.addupdate_scatter(
                    hist_v,
                    [lax.shift_right_logical(low, 7),
                     jnp.bitwise_and(low, jnp.int32(127))],
                    ones, mask=inb)

            nxt = ci + 2 + b

            @pl.when(nxt < NCH)
            def _():
                pltpu.async_copy(
                    w_hbm.at[pl.ds(base + nxt * CH, CH)], buf, sem)

    pltpu.sync_copy(hist_v, out_hbm.at[pl.ds(wid * (B2 // 128), B2 // 128)])


_fine_hist = functools.partial(
    pl.kernel,
    out_type=jax.ShapeDtypeStruct((NW * (B2 // 128), 128), jnp.int32),
    mesh=_MESH,
    scratch_types=[
        pltpu.VMEM((B2 // 128, 128), jnp.int32),
        pltpu.VMEM((CH,), jnp.float32),
        pltpu.VMEM((CH,), jnp.float32),
        pltpu.VMEM((16,), jnp.int32),
        pltpu.SemaphoreType.DMA,
        pltpu.SemaphoreType.DMA,
    ],
    compiler_params=_SC_PARAMS,
)(_fine_hist_body)


def _suffix_rows(x):
    s = x
    sh = 1
    while sh < x.shape[0]:
        s = s + jnp.concatenate(
            [s[sh:], jnp.zeros((sh, 128), s.dtype)], axis=0)
        sh *= 2
    return s


def _suffix_lanes(x):
    s = x
    sh = 1
    while sh < x.shape[1]:
        s = s + jnp.concatenate(
            [s[:, sh:], jnp.zeros((1, sh), s.dtype)], axis=1)
        sh *= 2
    return s


def _pick(h, kk):
    nrows = h.shape[0]
    rt = jnp.broadcast_to(jnp.sum(h, axis=1, keepdims=True), (nrows, 128))
    big = _suffix_rows(rt)
    ri = lax.broadcasted_iota(jnp.int32, (nrows, 128), 0)
    br = jnp.max(jnp.where(big >= kk, ri, -1))
    hrow = jnp.sum(jnp.where(ri == br, h, 0), axis=0, keepdims=True)
    above_rows = jnp.max(jnp.where(ri == br, big - rt, 0))
    s = above_rows + _suffix_lanes(hrow)
    li = lax.broadcasted_iota(jnp.int32, (1, 128), 1)
    bl = jnp.max(jnp.where(s >= kk, li, -1))
    strictly_above = jnp.max(jnp.where(li == bl, s - hrow, 0))
    in_bucket = jnp.max(jnp.where(li == bl, hrow, 0))
    return br * 128 + bl, kk - strictly_above, in_bucket


def _merge(h_ref, nbkt):
    h = h_ref[pl.ds(0, nbkt // 128), :]
    for wd in range(1, NW):
        h = h + h_ref[pl.ds(wd * (nbkt // 128), nbkt // 128), :]
    return h


def _pick_body(h_ref, out_ref):
    b, kp, _ = _pick(_merge(h_ref, B1), K)
    ri = lax.broadcasted_iota(jnp.int32, (8, 128), 0)
    out_ref[...] = jnp.where(ri == 0, b, jnp.where(ri == 1, kp, 0))


def _mask_body(params_ref, h2_ref, w_ref, o_ref, t_smem):
    @pl.when(pl.program_id(0) == 0)
    def _():
        b = params_ref[0, 0]
        kp = params_ref[1, 0]
        t, r_need, c_eq = _pick(_merge(h2_ref, B2), kp)
        t_smem[0] = jnp.bitwise_or(lax.shift_left(b, 15), t)
        t_smem[1] = r_need
        t_smem[2] = c_eq
        t_smem[3] = 0

    thr = t_smem[0]
    r_need = t_smem[1]
    c_eq = t_smem[2]
    seen = t_smem[3]
    bits = lax.bitcast_convert_type(w_ref[...], jnp.int32)
    babs = jnp.bitwise_and(bits, jnp.int32(0x7FFFFFFF))
    eq = (babs == thr).astype(jnp.int32)
    eq_blk = jnp.sum(eq)

    @pl.when((eq_blk == 0) | (r_need == c_eq))
    def _():
        o_ref[...] = jnp.where(babs >= thr, 1.0, 0.0).astype(jnp.float32)

    @pl.when((eq_blk != 0) & (r_need != c_eq))
    def _():
        lane_in = eq
        sh = 1
        while sh < 128:
            lane_in = lane_in + jnp.concatenate(
                [jnp.zeros((BROWS, sh), jnp.int32), lane_in[:, :-sh]], axis=1)
            sh *= 2
        lane_excl = lane_in - eq
        rc = jnp.sum(eq, axis=1, keepdims=True)
        row_in = rc
        sh = 1
        while sh < BROWS:
            row_in = row_in + jnp.concatenate(
                [jnp.zeros((sh, 1), jnp.int32), row_in[:-sh]], axis=0)
            sh *= 2
        rank = seen + (row_in - rc) + lane_excl
        keep = (babs > thr) | ((eq == 1) & (rank < r_need))
        o_ref[...] = jnp.where(keep, 1.0, 0.0).astype(jnp.float32)

    t_smem[3] = seen + eq_blk


def kernel(base_weight):
    hists1 = _coarse_hist(base_weight)
    params = pl.pallas_call(
        _pick_body,
        out_shape=jax.ShapeDtypeStruct((8, 128), jnp.int32),
    )(hists1)
    hists2 = _fine_hist(base_weight, params.reshape(1024))
    mask2d = pl.pallas_call(
        _mask_body,
        grid=(GR,),
        in_specs=[
            pl.BlockSpec(memory_space=pltpu.SMEM),
            pl.BlockSpec((NW * (B2 // 128), 128), lambda i: (0, 0)),
            pl.BlockSpec((BROWS, 128), lambda i: (i, 0)),
        ],
        out_specs=pl.BlockSpec((BROWS, 128), lambda i: (i, 0)),
        out_shape=jax.ShapeDtypeStruct((ROWS, 128), jnp.float32),
        scratch_shapes=[pltpu.SMEM((4,), jnp.int32)],
    )(params, hists2, base_weight.reshape(ROWS, 128))
    return mask2d.reshape(N)

# --- scband reference (transcript-rebuilt; emitter-appended) ---
"""Pipeline reference for scband-learned-mask-selector-19232863552285 (READ-ONLY COPY).

The authoritative reference and input builder live on the scoring server;
editing this copy changes nothing except your own understanding.
"""

import jax, jax.numpy as jnp
import numpy as np

NUM_PARAMS = 16777216
NUM_SPARSE = 65536


def setup_inputs(seed: int = 0) -> dict:
    key = jax.random.key(seed)
    base_weight = jax.random.normal(key, (NUM_PARAMS,), dtype=jnp.float32)
    return {"base_weight": base_weight}


def reference(base_weight):
    # update_indices: top-k by absolute magnitude (done under no_grad in torch)
    _, indices = jax.lax.top_k(jnp.abs(base_weight), NUM_SPARSE)
    # forward: hard 0/1 mask with ones at the selected indices (scatter-overwrite)
    mask = jnp.zeros((NUM_PARAMS,), dtype=jnp.float32).at[indices].set(1.0)
    return mask

if __name__ == "__main__":
    import jax
    _d = setup_inputs()
    print(jax.jit(kernel)(*tuple(_d.values())))

</pallas_src>

<mosaic_0001>
#map = affine_map<(d0, d1) -> (0)>
#map1 = affine_map<(d0, d1) -> (0, 0)>
module attributes {stable_mosaic.version = 14 : i64} {
  func.func @_fine_hist_body(%arg0: i32, %arg1: i32, %arg2: memref<16777216xf32, #tpu.memory_space<hbm>>, %arg3: memref<1024xi32, #tpu.memory_space<hbm>>, %arg4: memref<8192x128xi32, #tpu.memory_space<hbm>>, %arg5: memref<256x128xi32, #tpu.memory_space<vmem>>, %arg6: memref<16384xf32, #tpu.memory_space<vmem>>, %arg7: memref<16384xf32, #tpu.memory_space<vmem>>, %arg8: memref<16xi32, #tpu.memory_space<vmem>>, %arg9: memref<!tpu.dma_semaphore, #tpu.memory_space<semaphore_mem>>, %arg10: memref<!tpu.dma_semaphore, #tpu.memory_space<semaphore_mem>>) attributes {dimension_semantics = [#tpu.dimension_semantics<core_parallel>, #tpu.dimension_semantics<subcore_parallel>], iteration_bounds = array<i64: 2, 16>, scalar_prefetch = 0 : i64, scratch_operands = 6 : i64, tpu.core_type = #tpu.core_type<sc_vector_subcore>, window_params = [{transform_indices = #map}, {transform_indices = #map}, {transform_indices = #map1}]} {
    %mul3A = arith.constant 2 : i32
    %mul3A_0 = arith.muli %arg1, %mul3A : i32
    %add3A = arith.addi %mul3A_0, %arg0 : i32
    "tpu.region"() ({
      %run_scoped3A = tpu.sem_alloc : memref<!tpu.dma_semaphore, #tpu.memory_space<semaphore_mem>>
      %dma_start3A_18 = arith.constant 0 : i32
      %dma_start3A_19 = tpu.memref_slice %arg3[%dma_start3A_18] : memref<1024xi32, #tpu.memory_space<hbm>> -> memref<16xi32, #tpu.memory_space<hbm>>
      %dma_start3A_20 = arith.constant 0 : i32
      %dma_start3A_21 = tpu.memref_slice %arg3[%dma_start3A_20] : memref<1024xi32, #tpu.memory_space<hbm>> -> memref<16xi32, #tpu.memory_space<hbm>>
      tpu.enqueue_dma source(%dma_start3A_21 : memref<16xi32, #tpu.memory_space<hbm>>) target(%arg8 : memref<16xi32, #tpu.memory_space<vmem>>) target_semaphore(%run_scoped3A : memref<!tpu.dma_semaphore, #tpu.memory_space<semaphore_mem>>)
      %dma_wait3A = arith.constant 0 : i32
      %dma_wait3A_22 = tpu.memref_slice %arg3[%dma_wait3A] : memref<1024xi32, #tpu.memory_space<hbm>> -> memref<16xi32, #tpu.memory_space<hbm>>
      %dma_wait3A_23 = arith.constant 0 : i32
      %dma_wait3A_24 = tpu.memref_slice %arg3[%dma_wait3A_23] : memref<1024xi32, #tpu.memory_space<hbm>> -> memref<16xi32, #tpu.memory_space<hbm>>
      tpu.wait_dma2 semaphore(%run_scoped3A : memref<!tpu.dma_semaphore, #tpu.memory_space<semaphore_mem>>) src(%dma_wait3A_24 : memref<16xi32, #tpu.memory_space<hbm>>) dst(%arg8 : memref<16xi32, #tpu.memory_space<vmem>>)
      tpu.yield
    }) : () -> ()
    %get3A = arith.constant 0 : index
    %get3A_1 = tpu.vector_load %arg8[%get3A] {strides = array<i32>} : memref<16xi32, #tpu.memory_space<vmem>>, vector<16xi32>,
    %parallel_loop3A = arith.constant 0 : i32
    %parallel_loop3A_2 = arith.constant 256 : i32
    %parallel_loop3A_3 = arith.constant 1 : i32
    scf.for %parallel_loop3A_18 = %parallel_loop3A to %parallel_loop3A_2 step %parallel_loop3A_3  : i32 {
      %parallel_loop3A_19 = arith.constant 0 : i32
      %parallel_loop3A_20 = vector.broadcast %parallel_loop3A_19 : i32 to vector<16xi32>
      %parallel_loop3A_21 = arith.index_cast %parallel_loop3A_18 : i32 to index
      %parallel_loop3A_22 = arith.constant 0 : index
      %parallel_loop3A_23 = tpu.vector_load %arg5[%parallel_loop3A_21, %parallel_loop3A_22] {strides = array<i32>} : memref<256x128xi32, #tpu.memory_space<vmem>>, vector<16xi32>,
      tpu.vector_store %arg5[%parallel_loop3A_21, %parallel_loop3A_22], %parallel_loop3A_20 {strides = array<i32>} : memref<256x128xi32, #tpu.memory_space<vmem>>, vector<16xi32>,
      %parallel_loop3A_24 = arith.constant 0 : i32
      %parallel_loop3A_25 = vector.broadcast %parallel_loop3A_24 : i32 to vector<16xi32>
      %parallel_loop3A_26 = arith.index_cast %parallel_loop3A_18 : i32 to index
      %parallel_loop3A_27 = arith.constant 16 : index
      %parallel_loop3A_28 = tpu.vector_load %arg5[%parallel_loop3A_26, %parallel_loop3A_27] {strides = array<i32>} : memref<256x128xi32, #tpu.memory_space<vmem>>, vector<16xi32>,
      tpu.vector_store %arg5[%parallel_loop3A_26, %parallel_loop3A_27], %parallel_loop3A_25 {strides = array<i32>} : memref<256x128xi32, #tpu.memory_space<vmem>>, vector<16xi32>,
      %parallel_loop3A_29 = arith.constant 0 : i32
      %parallel_loop3A_30 = vector.broadcast %parallel_loop3A_29 : i32 to vector<16xi32>
      %parallel_loop3A_31 = arith.index_cast %parallel_loop3A_18 : i32 to index
      %parallel_loop3A_32 = arith.constant 32 : index
      %parallel_loop3A_33 = tpu.vector_load %arg5[%parallel_loop3A_31, %parallel_loop3A_32] {strides = array<i32>} : memref<256x128xi32, #tpu.memory_space<vmem>>, vector<16xi32>,
      tpu.vector_store %arg5[%parallel_loop3A_31, %parallel_loop3A_32], %parallel_loop3A_30 {strides = array<i32>} : memref<256x128xi32, #tpu.memory_space<vmem>>, vector<16xi32>,
      %parallel_loop3A_34 = arith.constant 0 : i32
      %parallel_loop3A_35 = vector.broadcast %parallel_loop3A_34 : i32 to vector<16xi32>
      %parallel_loop3A_36 = arith.index_cast %parallel_loop3A_18 : i32 to index
      %parallel_loop3A_37 = arith.constant 48 : index
      %parallel_loop3A_38 = tpu.vector_load %arg5[%parallel_loop3A_36, %parallel_loop3A_37] {strides = array<i32>} : memref<256x128xi32, #tpu.memory_space<vmem>>, vector<16xi32>,
      tpu.vector_store %arg5[%parallel_loop3A_36, %parallel_loop3A_37], %parallel_loop3A_35 {strides = array<i32>} : memref<256x128xi32, #tpu.memory_space<vmem>>, vector<16xi32>,
      %parallel_loop3A_39 = arith.constant 0 : i32
      %parallel_loop3A_40 = vector.broadcast %parallel_loop3A_39 : i32 to vector<16xi32>
      %parallel_loop3A_41 = arith.index_cast %parallel_loop3A_18 : i32 to index
      %parallel_loop3A_42 = arith.constant 64 : index
      %parallel_loop3A_43 = tpu.vector_load %arg5[%parallel_loop3A_41, %parallel_loop3A_42] {strides = array<i32>} : memref<256x128xi32, #tpu.memory_space<vmem>>, vector<16xi32>,
      tpu.vector_store %arg5[%parallel_loop3A_41, %parallel_loop3A_42], %parallel_loop3A_40 {strides = array<i32>} : memref<256x128xi32, #tpu.memory_space<vmem>>, vector<16xi32>,
      %parallel_loop3A_44 = arith.constant 0 : i32
      %parallel_loop3A_45 = vector.broadcast %parallel_loop3A_44 : i32 to vector<16xi32>
      %parallel_loop3A_46 = arith.index_cast %parallel_loop3A_18 : i32 to index
      %parallel_loop3A_47 = arith.constant 80 : index
      %parallel_loop3A_48 = tpu.vector_load %arg5[%parallel_loop3A_46, %parallel_loop3A_47] {strides = array<i32>} : memref<256x128xi32, #tpu.memory_space<vmem>>, vector<16xi32>,
      tpu.vector_store %arg5[%parallel_loop3A_46, %parallel_loop3A_47], %parallel_loop3A_45 {strides = array<i32>} : memref<256x128xi32, #tpu.memory_space<vmem>>, vector<16xi32>,
      %parallel_loop3A_49 = arith.constant 0 : i32
      %parallel_loop3A_50 = vector.broadcast %parallel_loop3A_49 : i32 to vector<16xi32>
      %parallel_loop3A_51 = arith.index_cast %parallel_loop3A_18 : i32 to index
      %parallel_loop3A_52 = arith.constant 96 : index
      %parallel_loop3A_53 = tpu.vector_load %arg5[%parallel_loop3A_51, %parallel_loop3A_52] {strides = array<i32>} : memref<256x128xi32, #tpu.memory_space<vmem>>, vector<16xi32>,
      tpu.vector_store %arg5[%parallel_loop3A_51, %parallel_loop3A_52], %parallel_loop3A_50 {strides = array<i32>} : memref<256x128xi32, #tpu.memory_space<vmem>>, vector<16xi32>,
      %parallel_loop3A_54 = arith.constant 0 : i32
      %parallel_loop3A_55 = vector.broadcast %parallel_loop3A_54 : i32 to vector<16xi32>
      %parallel_loop3A_56 = arith.index_cast %parallel_loop3A_18 : i32 to index
      %parallel_loop3A_57 = arith.constant 112 : index
      %parallel_loop3A_58 = tpu.vector_load %arg5[%parallel_loop3A_56, %parallel_loop3A_57] {strides = array<i32>} : memref<256x128xi32, #tpu.memory_space<vmem>>, vector<16xi32>,
      tpu.vector_store %arg5[%parallel_loop3A_56, %parallel_loop3A_57], %parallel_loop3A_55 {strides = array<i32>} : memref<256x128xi32, #tpu.memory_space<vmem>>, vector<16xi32>,
    } {sc.loop_unroll_factor = 4 : i64, sc.parallel_access}
    %broadcast_in_dim3A = arith.constant 1 : i32
    %broadcast_in_dim3A_4 = vector.broadcast %broadcast_in_dim3A : i32 to vector<16xi32>
    %mul3A_5 = arith.constant 524288 : i32
    %mul3A_6 = arith.muli %add3A, %mul3A_5 : i32
    %dma_start3A = tpu.memref_slice %arg2[%mul3A_6] : memref<16777216xf32, #tpu.memory_space<hbm>> -> memref<16384xf32, #tpu.memory_space<hbm>>
    %dma_start3A_7 = tpu.memref_slice %arg2[%mul3A_6] : memref<16777216xf32, #tpu.memory_space<hbm>> -> memref<16384xf32, #tpu.memory_space<hbm>>
    tpu.enqueue_dma source(%dma_start3A_7 : memref<16384xf32, #tpu.memory_space<hbm>>) target(%arg6 : memref<16384xf32, #tpu.memory_space<vmem>>) target_semaphore(%arg9 : memref<!tpu.dma_semaphore, #tpu.memory_space<semaphore_mem>>)
    %add3A_8 = arith.constant 16384 : i32
    %add3A_9 = arith.addi %mul3A_6, %add3A_8 : i32
    %dma_start3A_10 = tpu.memref_slice %arg2[%add3A_9] : memref<16777216xf32, #tpu.memory_space<hbm>> -> memref<16384xf32, #tpu.memory_space<hbm>>
    %dma_start3A_11 = tpu.memref_slice %arg2[%add3A_9] : memref<16777216xf32, #tpu.memory_space<hbm>> -> memref<16384xf32, #tpu.memory_space<hbm>>
    tpu.enqueue_dma source(%dma_start3A_11 : memref<16384xf32, #tpu.memory_space<hbm>>) target(%arg7 : memref<16384xf32, #tpu.memory_space<vmem>>) target_semaphore(%arg10 : memref<!tpu.dma_semaphore, #tpu.memory_space<semaphore_mem>>)
    %scan3A = arith.constant 0 : i32
    %scan3A_12 = arith.constant 16 : i32
    %scan3A_13 = arith.addi %scan3A, %scan3A_12 : i32
    %scan3A_14 = arith.constant 1 : i32
    scf.for %scan3A_18 = %scan3A to %scan3A_13 step %scan3A_14  : i32 {
      %mul3A_19 = arith.constant 2 : i32
      %mul3A_20 = arith.muli %scan3A_18, %mul3A_19 : i32
      %add3A_21 = arith.constant 0 : i32
      %add3A_22 = arith.addi %add3A_21, %mul3A_20 : i32
      %dma_wait3A = arith.constant 0 : i32
      %dma_wait3A_23 = tpu.memref_slice %arg2[%dma_wait3A] : memref<16777216xf32, #tpu.memory_space<hbm>> -> memref<16384xf32, #tpu.memory_space<hbm>>
      %dma_wait3A_24 = arith.constant 0 : i32
      %dma_wait3A_25 = tpu.memref_slice %arg2[%dma_wait3A_24] : memref<16777216xf32, #tpu.memory_space<hbm>> -> memref<16384xf32, #tpu.memory_space<hbm>>
      tpu.wait_dma2 semaphore(%arg9 : memref<!tpu.dma_semaphore, #tpu.memory_space<semaphore_mem>>) src(%dma_wait3A_25 : memref<16384xf32, #tpu.memory_space<hbm>>) dst(%arg6 : memref<16384xf32, #tpu.memory_space<vmem>>)
      %shift_left3A = arith.constant 15 : i32
      %shift_left3A_26 = vector.broadcast %shift_left3A : i32 to vector<16xi32>
      %shift_left3A_27 = arith.shli %get3A_1, %shift_left3A_26 : vector<16xi32>
      %parallel_loop3A_28 = arith.constant 0 : i32
      %parallel_loop3A_29 = arith.constant 1024 : i32
      %parallel_loop3A_30 = arith.constant 1 : i32
      scf.for %parallel_loop3A_56 = %parallel_loop3A_28 to %parallel_loop3A_29 step %parallel_loop3A_30  : i32 {
        %parallel_loop3A_57 = arith.constant 16 : i32
        %parallel_loop3A_58 = arith.muli %parallel_loop3A_56, %parallel_loop3A_57 : i32
        %parallel_loop3A_59 = arith.index_cast %parallel_loop3A_58 : i32 to index
        %parallel_loop3A_60 = tpu.vector_load %arg6[%parallel_loop3A_59] {strides = array<i32>} : memref<16384xf32, #tpu.memory_space<vmem>>, vector<16xf32>,
        %parallel_loop3A_61 = vector.bitcast %parallel_loop3A_60 : vector<16xf32> to vector<16xi32>
        %parallel_loop3A_62 = arith.constant 2147483647 : i32
        %parallel_loop3A_63 = vector.broadcast %parallel_loop3A_62 : i32 to vector<16xi32>
        %parallel_loop3A_64 = arith.andi %parallel_loop3A_61, %parallel_loop3A_63 : vector<16xi32>
        %parallel_loop3A_65 = arith.subi %parallel_loop3A_64, %shift_left3A_27 : vector<16xi32>
        %parallel_loop3A_66 = arith.constant -32768 : i32
        %parallel_loop3A_67 = vector.broadcast %parallel_loop3A_66 : i32 to vector<16xi32>
        %parallel_loop3A_68 = arith.andi %parallel_loop3A_65, %parallel_loop3A_67 : vector<16xi32>
        %parallel_loop3A_69 = arith.constant 0 : i32
        %parallel_loop3A_70 = vector.broadcast %parallel_loop3A_69 : i32 to vector<16xi32>
        %parallel_loop3A_71 = arith.cmpi eq, %parallel_loop3A_68, %parallel_loop3A_70 : vector<16xi32>
        %parallel_loop3A_72 = arith.constant 32767 : i32
        %parallel_loop3A_73 = vector.broadcast %parallel_loop3A_72 : i32 to vector<16xi32>
        %parallel_loop3A_74 = arith.andi %parallel_loop3A_65, %parallel_loop3A_73 : vector<16xi32>
        %parallel_loop3A_75 = arith.constant 7 : i32
        %parallel_loop3A_76 = vector.broadcast %parallel_loop3A_75 : i32 to vector<16xi32>
        %parallel_loop3A_77 = arith.shrui %parallel_loop3A_74, %parallel_loop3A_76 : vector<16xi32>
        %parallel_loop3A_78 = arith.constant 127 : i32
        %parallel_loop3A_79 = vector.broadcast %parallel_loop3A_78 : i32 to vector<16xi32>
        %parallel_loop3A_80 = arith.andi %parallel_loop3A_74, %parallel_loop3A_79 : vector<16xi32>
        tpu.vector_store_idx %arg5[%parallel_loop3A_77, %parallel_loop3A_80], %broadcast_in_dim3A_4 masked %parallel_loop3A_71 {add = true} : memref<256x128xi32, #tpu.memory_space<vmem>>[vector<16xi32>, vector<16xi32>], vector<16xi32>, vector<16xi1>
      } {sc.loop_unroll_factor = 16 : i64, sc.parallel_access}
      %add3A_31 = arith.constant 2 : i32
      %add3A_32 = arith.addi %add3A_22, %add3A_31 : i32
      %add3A_33 = arith.constant 0 : i32
      %add3A_34 = arith.addi %add3A_32, %add3A_33 : i32
      %lt3A = arith.constant 32 : i32
      %lt3A_35 = arith.cmpi slt, %add3A_34, %lt3A : i32
      %convert_element_type3A = arith.extui %lt3A_35 : i1 to i32
      %cond3A = arith.constant 0 : i32
      %cond3A_36 = arith.cmpi ne, %convert_element_type3A, %cond3A : i32
      scf.if %cond3A_36 {
        %mul3A_56 = arith.constant 16384 : i32
        %mul3A_57 = arith.muli %add3A_34, %mul3A_56 : i32
        %add3A_58 = arith.addi %mul3A_6, %mul3A_57 : i32
        %dma_start3A_59 = tpu.memref_slice %arg2[%add3A_58] : memref<16777216xf32, #tpu.memory_space<hbm>> -> memref<16384xf32, #tpu.memory_space<hbm>>
        %dma_start3A_60 = tpu.memref_slice %arg2[%add3A_58] : memref<16777216xf32, #tpu.memory_space<hbm>> -> memref<16384xf32, #tpu.memory_space<hbm>>
        tpu.enqueue_dma source(%dma_start3A_60 : memref<16384xf32, #tpu.memory_space<hbm>>) target(%arg6 : memref<16384xf32, #tpu.memory_space<vmem>>) target_semaphore(%arg9 : memref<!tpu.dma_semaphore, #tpu.memory_space<semaphore_mem>>)
      } else {
      }
      %dma_wait3A_37 = arith.constant 0 : i32
      %dma_wait3A_38 = tpu.memref_slice %arg2[%dma_wait3A_37] : memref<16777216xf32, #tpu.memory_space<hbm>> -> memref<16384xf32, #tpu.memory_space<hbm>>
      %dma_wait3A_39 = arith.constant 0 : i32
      %dma_wait3A_40 = tpu.memref_slice %arg2[%dma_wait3A_39] : memref<16777216xf32, #tpu.memory_space<hbm>> -> memref<16384xf32, #tpu.memory_space<hbm>>
      tpu.wait_dma2 semaphore(%arg10 : memref<!tpu.dma_semaphore, #tpu.memory_space<semaphore_mem>>) src(%dma_wait3A_40 : memref<16384xf32, #tpu.memory_space<hbm>>) dst(%arg7 : memref<16384xf32, #tpu.memory_space<vmem>>)
      %shift_left3A_41 = arith.constant 15 : i32
      %shift_left3A_42 = vector.broadcast %shift_left3A_41 : i32 to vector<16xi32>
      %shift_left3A_43 = arith.shli %get3A_1, %shift_left3A_42 : vector<16xi32>
      %parallel_loop3A_44 = arith.constant 0 : i32
      %parallel_loop3A_45 = arith.constant 1024 : i32
      %parallel_loop3A_46 = arith.constant 1 : i32
      scf.for %parallel_loop3A_56 = %parallel_loop3A_44 to %parallel_loop3A_45 step %parallel_loop3A_46  : i32 {
        %parallel_loop3A_57 = arith.constant 16 : i32
        %parallel_loop3A_58 = arith.muli %parallel_loop3A_56, %parallel_loop3A_57 : i32
        %parallel_loop3A_59 = arith.index_cast %parallel_loop3A_58 : i32 to index
        %parallel_loop3A_60 = tpu.vector_load %arg7[%parallel_loop3A_59] {strides = array<i32>} : memref<16384xf32, #tpu.memory_space<vmem>>, vector<16xf32>,
        %parallel_loop3A_61 = vector.bitcast %parallel_loop3A_60 : vector<16xf32> to vector<16xi32>
        %parallel_loop3A_62 = arith.constant 2147483647 : i32
        %parallel_loop3A_63 = vector.broadcast %parallel_loop3A_62 : i32 to vector<16xi32>
        %parallel_loop3A_64 = arith.andi %parallel_loop3A_61, %parallel_loop3A_63 : vector<16xi32>
        %parallel_loop3A_65 = arith.subi %parallel_loop3A_64, %shift_left3A_43 : vector<16xi32>
        %parallel_loop3A_66 = arith.constant -32768 : i32
        %parallel_loop3A_67 = vector.broadcast %parallel_loop3A_66 : i32 to vector<16xi32>
        %parallel_loop3A_68 = arith.andi %parallel_loop3A_65, %parallel_loop3A_67 : vector<16xi32>
        %parallel_loop3A_69 = arith.constant 0 : i32
        %parallel_loop3A_70 = vector.broadcast %parallel_loop3A_69 : i32 to vector<16xi32>
        %parallel_loop3A_71 = arith.cmpi eq, %parallel_loop3A_68, %parallel_loop3A_70 : vector<16xi32>
        %parallel_loop3A_72 = arith.constant 32767 : i32
        %parallel_loop3A_73 = vector.broadcast %parallel_loop3A_72 : i32 to vector<16xi32>
        %parallel_loop3A_74 = arith.andi %parallel_loop3A_65, %parallel_loop3A_73 : vector<16xi32>
        %parallel_loop3A_75 = arith.constant 7 : i32
        %parallel_loop3A_76 = vector.broadcast %parallel_loop3A_75 : i32 to vector<16xi32>
        %parallel_loop3A_77 = arith.shrui %parallel_loop3A_74, %parallel_loop3A_76 : vector<16xi32>
        %parallel_loop3A_78 = arith.constant 127 : i32
        %parallel_loop3A_79 = vector.broadcast %parallel_loop3A_78 : i32 to vector<16xi32>
        %parallel_loop3A_80 = arith.andi %parallel_loop3A_74, %parallel_loop3A_79 : vector<16xi32>
        tpu.vector_store_idx %arg5[%parallel_loop3A_77, %parallel_loop3A_80], %broadcast_in_dim3A_4 masked %parallel_loop3A_71 {add = true} : memref<256x128xi32, #tpu.memory_space<vmem>>[vector<16xi32>, vector<16xi32>], vector<16xi32>, vector<16xi1>
      } {sc.loop_unroll_factor = 16 : i64, sc.parallel_access}
      %add3A_47 = arith.constant 2 : i32
      %add3A_48 = arith.addi %add3A_22, %add3A_47 : i32
      %add3A_49 = arith.constant 1 : i32
      %add3A_50 = arith.addi %add3A_48, %add3A_49 : i32
      %lt3A_51 = arith.constant 32 : i32
      %lt3A_52 = arith.cmpi slt, %add3A_50, %lt3A_51 : i32
      %convert_element_type3A_53 = arith.extui %lt3A_52 : i1 to i32
      %cond3A_54 = arith.constant 0 : i32
      %cond3A_55 = arith.cmpi ne, %convert_element_type3A_53, %cond3A_54 : i32
      scf.if %cond3A_55 {
        %mul3A_56 = arith.constant 16384 : i32
        %mul3A_57 = arith.muli %add3A_50, %mul3A_56 : i32
        %add3A_58 = arith.addi %mul3A_6, %mul3A_57 : i32
        %dma_start3A_59 = tpu.memref_slice %arg2[%add3A_58] : memref<16777216xf32, #tpu.memory_space<hbm>> -> memref<16384xf32, #tpu.memory_space<hbm>>
        %dma_start3A_60 = tpu.memref_slice %arg2[%add3A_58] : memref<16777216xf32, #tpu.memory_space<hbm>> -> memref<16384xf32, #tpu.memory_space<hbm>>
        tpu.enqueue_dma source(%dma_start3A_60 : memref<16384xf32, #tpu.memory_space<hbm>>) target(%arg7 : memref<16384xf32, #tpu.memory_space<vmem>>) target_semaphore(%arg10 : memref<!tpu.dma_semaphore, #tpu.memory_space<semaphore_mem>>)
      } else {
      }
    }
    %scan3A_15 = arith.constant 16 : i32
    %mul3A_16 = arith.constant 256 : i32
    %mul3A_17 = arith.muli %add3A, %mul3A_16 : i32
    "tpu.region"() ({
      %run_scoped3A = tpu.sem_alloc : memref<!tpu.dma_semaphore, #tpu.memory_space<semaphore_mem>>
      %dma_start3A_18 = arith.constant 0 : i32
      %dma_start3A_19 = tpu.memref_slice %arg4[%mul3A_17, %dma_start3A_18] : memref<8192x128xi32, #tpu.memory_space<hbm>> -> memref<256x128xi32, #tpu.memory_space<hbm>>
      %dma_start3A_20 = arith.constant 0 : i32
      %dma_start3A_21 = tpu.memref_slice %arg4[%mul3A_17, %dma_start3A_20] : memref<8192x128xi32, #tpu.memory_space<hbm>> -> memref<256x128xi32, #tpu.memory_space<hbm>>
      tpu.enqueue_dma source(%arg5 : memref<256x128xi32, #tpu.memory_space<vmem>>) target(%dma_start3A_21 : memref<256x128xi32, #tpu.memory_space<hbm>>) target_semaphore(%run_scoped3A : memref<!tpu.dma_semaphore, #tpu.memory_space<semaphore_mem>>)
      %dma_wait3A = arith.constant 0 : i32
      %dma_wait3A_22 = tpu.memref_slice %arg4[%mul3A_17, %dma_wait3A] : memref<8192x128xi32, #tpu.memory_space<hbm>> -> memref<256x128xi32, #tpu.memory_space<hbm>>
      %dma_wait3A_23 = arith.constant 0 : i32
      %dma_wait3A_24 = tpu.memref_slice %arg4[%mul3A_17, %dma_wait3A_23] : memref<8192x128xi32, #tpu.memory_space<hbm>> -> memref<256x128xi32, #tpu.memory_space<hbm>>
      tpu.wait_dma2 semaphore(%run_scoped3A : memref<!tpu.dma_semaphore, #tpu.memory_space<semaphore_mem>>) src(%arg5 : memref<256x128xi32, #tpu.memory_space<vmem>>) dst(%dma_wait3A_24 : memref<256x128xi32, #tpu.memory_space<hbm>>)
      tpu.yield
    }) : () -> ()
    return
  }
}

#map = affine_map<(d0, d1) -> (0)>
#map1 = affine_map<(d0, d1) -> (0, 0)>
module attributes {stable_mosaic.version = 14 : i64} {
  func.func @_coarse_hist_body(%arg0: i32, %arg1: i32, %arg2: memref<16777216xf32, #tpu.memory_space<hbm>>, %arg3: memref<16384x128xi32, #tpu.memory_space<hbm>>, %arg4: memref<512x128xi32, #tpu.memory_space<vmem>>, %arg5: memref<16384xf32, #tpu.memory_space<vmem>>, %arg6: memref<16384xf32, #tpu.memory_space<vmem>>, %arg7: memref<!tpu.dma_semaphore, #tpu.memory_space<semaphore_mem>>, %arg8: memref<!tpu.dma_semaphore, #tpu.memory_space<semaphore_mem>>) attributes {dimension_semantics = [#tpu.dimension_semantics<core_parallel>, #tpu.dimension_semantics<subcore_parallel>], iteration_bounds = array<i64: 2, 16>, scalar_prefetch = 0 : i64, scratch_operands = 5 : i64, tpu.core_type = #tpu.core_type<sc_vector_subcore>, window_params = [{transform_indices = #map}, {transform_indices = #map1}]} {
    %mul3A = arith.constant 2 : i32
    %mul3A_0 = arith.muli %arg1, %mul3A : i32
    %add3A = arith.addi %mul3A_0, %arg0 : i32
    %parallel_loop3A = arith.constant 0 : i32
    %parallel_loop3A_1 = arith.constant 512 : i32
    %parallel_loop3A_2 = arith.constant 1 : i32
    scf.for %parallel_loop3A_17 = %parallel_loop3A to %parallel_loop3A_1 step %parallel_loop3A_2  : i32 {
      %parallel_loop3A_18 = arith.constant 0 : i32
      %parallel_loop3A_19 = vector.broadcast %parallel_loop3A_18 : i32 to vector<16xi32>
      %parallel_loop3A_20 = arith.index_cast %parallel_loop3A_17 : i32 to index
      %parallel_loop3A_21 = arith.constant 0 : index
      %parallel_loop3A_22 = tpu.vector_load %arg4[%parallel_loop3A_20, %parallel_loop3A_21] {strides = array<i32>} : memref<512x128xi32, #tpu.memory_space<vmem>>, vector<16xi32>,
      tpu.vector_store %arg4[%parallel_loop3A_20, %parallel_loop3A_21], %parallel_loop3A_19 {strides = array<i32>} : memref<512x128xi32, #tpu.memory_space<vmem>>, vector<16xi32>,
      %parallel_loop3A_23 = arith.constant 0 : i32
      %parallel_loop3A_24 = vector.broadcast %parallel_loop3A_23 : i32 to vector<16xi32>
      %parallel_loop3A_25 = arith.index_cast %parallel_loop3A_17 : i32 to index
      %parallel_loop3A_26 = arith.constant 16 : index
      %parallel_loop3A_27 = tpu.vector_load %arg4[%parallel_loop3A_25, %parallel_loop3A_26] {strides = array<i32>} : memref<512x128xi32, #tpu.memory_space<vmem>>, vector<16xi32>,
      tpu.vector_store %arg4[%parallel_loop3A_25, %parallel_loop3A_26], %parallel_loop3A_24 {strides = array<i32>} : memref<512x128xi32, #tpu.memory_space<vmem>>, vector<16xi32>,
      %parallel_loop3A_28 = arith.constant 0 : i32
      %parallel_loop3A_29 = vector.broadcast %parallel_loop3A_28 : i32 to vector<16xi32>
      %parallel_loop3A_30 = arith.index_cast %parallel_loop3A_17 : i32 to index
      %parallel_loop3A_31 = arith.constant 32 : index
      %parallel_loop3A_32 = tpu.vector_load %arg4[%parallel_loop3A_30, %parallel_loop3A_31] {strides = array<i32>} : memref<512x128xi32, #tpu.memory_space<vmem>>, vector<16xi32>,
      tpu.vector_store %arg4[%parallel_loop3A_30, %parallel_loop3A_31], %parallel_loop3A_29 {strides = array<i32>} : memref<512x128xi32, #tpu.memory_space<vmem>>, vector<16xi32>,
      %parallel_loop3A_33 = arith.constant 0 : i32
      %parallel_loop3A_34 = vector.broadcast %parallel_loop3A_33 : i32 to vector<16xi32>
      %parallel_loop3A_35 = arith.index_cast %parallel_loop3A_17 : i32 to index
      %parallel_loop3A_36 = arith.constant 48 : index
      %parallel_loop3A_37 = tpu.vector_load %arg4[%parallel_loop3A_35, %parallel_loop3A_36] {strides = array<i32>} : memref<512x128xi32, #tpu.memory_space<vmem>>, vector<16xi32>,
      tpu.vector_store %arg4[%parallel_loop3A_35, %parallel_loop3A_36], %parallel_loop3A_34 {strides = array<i32>} : memref<512x128xi32, #tpu.memory_space<vmem>>, vector<16xi32>,
      %parallel_loop3A_38 = arith.constant 0 : i32
      %parallel_loop3A_39 = vector.broadcast %parallel_loop3A_38 : i32 to vector<16xi32>
      %parallel_loop3A_40 = arith.index_cast %parallel_loop3A_17 : i32 to index
      %parallel_loop3A_41 = arith.constant 64 : index
      %parallel_loop3A_42 = tpu.vector_load %arg4[%parallel_loop3A_40, %parallel_loop3A_41] {strides = array<i32>} : memref<512x128xi32, #tpu.memory_space<vmem>>, vector<16xi32>,
      tpu.vector_store %arg4[%parallel_loop3A_40, %parallel_loop3A_41], %parallel_loop3A_39 {strides = array<i32>} : memref<512x128xi32, #tpu.memory_space<vmem>>, vector<16xi32>,
      %parallel_loop3A_43 = arith.constant 0 : i32
      %parallel_loop3A_44 = vector.broadcast %parallel_loop3A_43 : i32 to vector<16xi32>
      %parallel_loop3A_45 = arith.index_cast %parallel_loop3A_17 : i32 to index
      %parallel_loop3A_46 = arith.constant 80 : index
      %parallel_loop3A_47 = tpu.vector_load %arg4[%parallel_loop3A_45, %parallel_loop3A_46] {strides = array<i32>} : memref<512x128xi32, #tpu.memory_space<vmem>>, vector<16xi32>,
      tpu.vector_store %arg4[%parallel_loop3A_45, %parallel_loop3A_46], %parallel_loop3A_44 {strides = array<i32>} : memref<512x128xi32, #tpu.memory_space<vmem>>, vector<16xi32>,
      %parallel_loop3A_48 = arith.constant 0 : i32
      %parallel_loop3A_49 = vector.broadcast %parallel_loop3A_48 : i32 to vector<16xi32>
      %parallel_loop3A_50 = arith.index_cast %parallel_loop3A_17 : i32 to index
      %parallel_loop3A_51 = arith.constant 96 : index
      %parallel_loop3A_52 = tpu.vector_load %arg4[%parallel_loop3A_50, %parallel_loop3A_51] {strides = array<i32>} : memref<512x128xi32, #tpu.memory_space<vmem>>, vector<16xi32>,
      tpu.vector_store %arg4[%parallel_loop3A_50, %parallel_loop3A_51], %parallel_loop3A_49 {strides = array<i32>} : memref<512x128xi32, #tpu.memory_space<vmem>>, vector<16xi32>,
      %parallel_loop3A_53 = arith.constant 0 : i32
      %parallel_loop3A_54 = vector.broadcast %parallel_loop3A_53 : i32 to vector<16xi32>
      %parallel_loop3A_55 = arith.index_cast %parallel_loop3A_17 : i32 to index
      %parallel_loop3A_56 = arith.constant 112 : index
      %parallel_loop3A_57 = tpu.vector_load %arg4[%parallel_loop3A_55, %parallel_loop3A_56] {strides = array<i32>} : memref<512x128xi32, #tpu.memory_space<vmem>>, vector<16xi32>,
      tpu.vector_store %arg4[%parallel_loop3A_55, %parallel_loop3A_56], %parallel_loop3A_54 {strides = array<i32>} : memref<512x128xi32, #tpu.memory_space<vmem>>, vector<16xi32>,
    } {sc.loop_unroll_factor = 4 : i64, sc.parallel_access}
    %broadcast_in_dim3A = arith.constant 1 : i32
    %broadcast_in_dim3A_3 = vector.broadcast %broadcast_in_dim3A : i32 to vector<16xi32>
    %mul3A_4 = arith.constant 524288 : i32
    %mul3A_5 = arith.muli %add3A, %mul3A_4 : i32
    %dma_start3A = tpu.memref_slice %arg2[%mul3A_5] : memref<16777216xf32, #tpu.memory_space<hbm>> -> memref<16384xf32, #tpu.memory_space<hbm>>
    %dma_start3A_6 = tpu.memref_slice %arg2[%mul3A_5] : memref<16777216xf32, #tpu.memory_space<hbm>> -> memref<16384xf32, #tpu.memory_space<hbm>>
    tpu.enqueue_dma source(%dma_start3A_6 : memref<16384xf32, #tpu.memory_space<hbm>>) target(%arg5 : memref<16384xf32, #tpu.memory_space<vmem>>) target_semaphore(%arg7 : memref<!tpu.dma_semaphore, #tpu.memory_space<semaphore_mem>>)
    %add3A_7 = arith.constant 16384 : i32
    %add3A_8 = arith.addi %mul3A_5, %add3A_7 : i32
    %dma_start3A_9 = tpu.memref_slice %arg2[%add3A_8] : memref<16777216xf32, #tpu.memory_space<hbm>> -> memref<16384xf32, #tpu.memory_space<hbm>>
    %dma_start3A_10 = tpu.memref_slice %arg2[%add3A_8] : memref<16777216xf32, #tpu.memory_space<hbm>> -> memref<16384xf32, #tpu.memory_space<hbm>>
    tpu.enqueue_dma source(%dma_start3A_10 : memref<16384xf32, #tpu.memory_space<hbm>>) target(%arg6 : memref<16384xf32, #tpu.memory_space<vmem>>) target_semaphore(%arg8 : memref<!tpu.dma_semaphore, #tpu.memory_space<semaphore_mem>>)
    %scan3A = arith.constant 0 : i32
    %scan3A_11 = arith.constant 16 : i32
    %scan3A_12 = arith.addi %scan3A, %scan3A_11 : i32
    %scan3A_13 = arith.constant 1 : i32
    scf.for %scan3A_17 = %scan3A to %scan3A_12 step %scan3A_13  : i32 {
      %mul3A_18 = arith.constant 2 : i32
      %mul3A_19 = arith.muli %scan3A_17, %mul3A_18 : i32
      %add3A_20 = arith.constant 0 : i32
      %add3A_21 = arith.addi %add3A_20, %mul3A_19 : i32
      %dma_wait3A = arith.constant 0 : i32
      %dma_wait3A_22 = tpu.memref_slice %arg2[%dma_wait3A] : memref<16777216xf32, #tpu.memory_space<hbm>> -> memref<16384xf32, #tpu.memory_space<hbm>>
      %dma_wait3A_23 = arith.constant 0 : i32
      %dma_wait3A_24 = tpu.memref_slice %arg2[%dma_wait3A_23] : memref<16777216xf32, #tpu.memory_space<hbm>> -> memref<16384xf32, #tpu.memory_space<hbm>>
      tpu.wait_dma2 semaphore(%arg7 : memref<!tpu.dma_semaphore, #tpu.memory_space<semaphore_mem>>) src(%dma_wait3A_24 : memref<16384xf32, #tpu.memory_space<hbm>>) dst(%arg5 : memref<16384xf32, #tpu.memory_space<vmem>>)
      %parallel_loop3A_25 = arith.constant 0 : i32
      %parallel_loop3A_26 = arith.constant 1024 : i32
      %parallel_loop3A_27 = arith.constant 1 : i32
      scf.for %parallel_loop3A_50 = %parallel_loop3A_25 to %parallel_loop3A_26 step %parallel_loop3A_27  : i32 {
        %parallel_loop3A_51 = arith.constant 16 : i32
        %parallel_loop3A_52 = arith.muli %parallel_loop3A_50, %parallel_loop3A_51 : i32
        %parallel_loop3A_53 = arith.index_cast %parallel_loop3A_52 : i32 to index
        %parallel_loop3A_54 = tpu.vector_load %arg5[%parallel_loop3A_53] {strides = array<i32>} : memref<16384xf32, #tpu.memory_space<vmem>>, vector<16xf32>,
        %parallel_loop3A_55 = vector.bitcast %parallel_loop3A_54 : vector<16xf32> to vector<16xi32>
        %parallel_loop3A_56 = arith.constant 2147483647 : i32
        %parallel_loop3A_57 = vector.broadcast %parallel_loop3A_56 : i32 to vector<16xi32>
        %parallel_loop3A_58 = arith.andi %parallel_loop3A_55, %parallel_loop3A_57 : vector<16xi32>
        %parallel_loop3A_59 = arith.constant 15 : i32
        %parallel_loop3A_60 = vector.broadcast %parallel_loop3A_59 : i32 to vector<16xi32>
        %parallel_loop3A_61 = arith.shrui %parallel_loop3A_58, %parallel_loop3A_60 : vector<16xi32>
        %parallel_loop3A_62 = arith.constant 7 : i32
        %parallel_loop3A_63 = vector.broadcast %parallel_loop3A_62 : i32 to vector<16xi32>
        %parallel_loop3A_64 = arith.shrui %parallel_loop3A_61, %parallel_loop3A_63 : vector<16xi32>
        %parallel_loop3A_65 = arith.constant 127 : i32
        %parallel_loop3A_66 = vector.broadcast %parallel_loop3A_65 : i32 to vector<16xi32>
        %parallel_loop3A_67 = arith.andi %parallel_loop3A_61, %parallel_loop3A_66 : vector<16xi32>
        tpu.vector_store_idx %arg4[%parallel_loop3A_64, %parallel_loop3A_67], %broadcast_in_dim3A_3 {add = true} : memref<512x128xi32, #tpu.memory_space<vmem>>[vector<16xi32>, vector<16xi32>], vector<16xi32>,
      } {sc.loop_unroll_factor = 16 : i64, sc.parallel_access}
      %add3A_28 = arith.constant 2 : i32
      %add3A_29 = arith.addi %add3A_21, %add3A_28 : i32
      %add3A_30 = arith.constant 0 : i32
      %add3A_31 = arith.addi %add3A_29, %add3A_30 : i32
      %lt3A = arith.constant 32 : i32
      %lt3A_32 = arith.cmpi slt, %add3A_31, %lt3A : i32
      %convert_element_type3A = arith.extui %lt3A_32 : i1 to i32
      %cond3A = arith.constant 0 : i32
      %cond3A_33 = arith.cmpi ne, %convert_element_type3A, %cond3A : i32
      scf.if %cond3A_33 {
        %mul3A_50 = arith.constant 16384 : i32
        %mul3A_51 = arith.muli %add3A_31, %mul3A_50 : i32
        %add3A_52 = arith.addi %mul3A_5, %mul3A_51 : i32
        %dma_start3A_53 = tpu.memref_slice %arg2[%add3A_52] : memref<16777216xf32, #tpu.memory_space<hbm>> -> memref<16384xf32, #tpu.memory_space<hbm>>
        %dma_start3A_54 = tpu.memref_slice %arg2[%add3A_52] : memref<16777216xf32, #tpu.memory_space<hbm>> -> memref<16384xf32, #tpu.memory_space<hbm>>
        tpu.enqueue_dma source(%dma_start3A_54 : memref<16384xf32, #tpu.memory_space<hbm>>) target(%arg5 : memref<16384xf32, #tpu.memory_space<vmem>>) target_semaphore(%arg7 : memref<!tpu.dma_semaphore, #tpu.memory_space<semaphore_mem>>)
      } else {
      }
      %dma_wait3A_34 = arith.constant 0 : i32
      %dma_wait3A_35 = tpu.memref_slice %arg2[%dma_wait3A_34] : memref<16777216xf32, #tpu.memory_space<hbm>> -> memref<16384xf32, #tpu.memory_space<hbm>>
      %dma_wait3A_36 = arith.constant 0 : i32
      %dma_wait3A_37 = tpu.memref_slice %arg2[%dma_wait3A_36] : memref<16777216xf32, #tpu.memory_space<hbm>> -> memref<16384xf32, #tpu.memory_space<hbm>>
      tpu.wait_dma2 semaphore(%arg8 : memref<!tpu.dma_semaphore, #tpu.memory_space<semaphore_mem>>) src(%dma_wait3A_37 : memref<16384xf32, #tpu.memory_space<hbm>>) dst(%arg6 : memref<16384xf32, #tpu.memory_space<vmem>>)
      %parallel_loop3A_38 = arith.constant 0 : i32
      %parallel_loop3A_39 = arith.constant 1024 : i32
      %parallel_loop3A_40 = arith.constant 1 : i32
      scf.for %parallel_loop3A_50 = %parallel_loop3A_38 to %parallel_loop3A_39 step %parallel_loop3A_40  : i32 {
        %parallel_loop3A_51 = arith.constant 16 : i32
        %parallel_loop3A_52 = arith.muli %parallel_loop3A_50, %parallel_loop3A_51 : i32
        %parallel_loop3A_53 = arith.index_cast %parallel_loop3A_52 : i32 to index
        %parallel_loop3A_54 = tpu.vector_load %arg6[%parallel_loop3A_53] {strides = array<i32>} : memref<16384xf32, #tpu.memory_space<vmem>>, vector<16xf32>,
        %parallel_loop3A_55 = vector.bitcast %parallel_loop3A_54 : vector<16xf32> to vector<16xi32>
        %parallel_loop3A_56 = arith.constant 2147483647 : i32
        %parallel_loop3A_57 = vector.broadcast %parallel_loop3A_56 : i32 to vector<16xi32>
        %parallel_loop3A_58 = arith.andi %parallel_loop3A_55, %parallel_loop3A_57 : vector<16xi32>
        %parallel_loop3A_59 = arith.constant 15 : i32
        %parallel_loop3A_60 = vector.broadcast %parallel_loop3A_59 : i32 to vector<16xi32>
        %parallel_loop3A_61 = arith.shrui %parallel_loop3A_58, %parallel_loop3A_60 : vector<16xi32>
        %parallel_loop3A_62 = arith.constant 7 : i32
        %parallel_loop3A_63 = vector.broadcast %parallel_loop3A_62 : i32 to vector<16xi32>
        %parallel_loop3A_64 = arith.shrui %parallel_loop3A_61, %parallel_loop3A_63 : vector<16xi32>
        %parallel_loop3A_65 = arith.constant 127 : i32
        %parallel_loop3A_66 = vector.broadcast %parallel_loop3A_65 : i32 to vector<16xi32>
        %parallel_loop3A_67 = arith.andi %parallel_loop3A_61, %parallel_loop3A_66 : vector<16xi32>
        tpu.vector_store_idx %arg4[%parallel_loop3A_64, %parallel_loop3A_67], %broadcast_in_dim3A_3 {add = true} : memref<512x128xi32, #tpu.memory_space<vmem>>[vector<16xi32>, vector<16xi32>], vector<16xi32>,
      } {sc.loop_unroll_factor = 16 : i64, sc.parallel_access}
      %add3A_41 = arith.constant 2 : i32
      %add3A_42 = arith.addi %add3A_21, %add3A_41 : i32
      %add3A_43 = arith.constant 1 : i32
      %add3A_44 = arith.addi %add3A_42, %add3A_43 : i32
      %lt3A_45 = arith.constant 32 : i32
      %lt3A_46 = arith.cmpi slt, %add3A_44, %lt3A_45 : i32
      %convert_element_type3A_47 = arith.extui %lt3A_46 : i1 to i32
      %cond3A_48 = arith.constant 0 : i32
      %cond3A_49 = arith.cmpi ne, %convert_element_type3A_47, %cond3A_48 : i32
      scf.if %cond3A_49 {
        %mul3A_50 = arith.constant 16384 : i32
        %mul3A_51 = arith.muli %add3A_44, %mul3A_50 : i32
        %add3A_52 = arith.addi %mul3A_5, %mul3A_51 : i32
        %dma_start3A_53 = tpu.memref_slice %arg2[%add3A_52] : memref<16777216xf32, #tpu.memory_space<hbm>> -> memref<16384xf32, #tpu.memory_space<hbm>>
        %dma_start3A_54 = tpu.memref_slice %arg2[%add3A_52] : memref<16777216xf32, #tpu.memory_space<hbm>> -> memref<16384xf32, #tpu.memory_space<hbm>>
        tpu.enqueue_dma source(%dma_start3A_54 : memref<16384xf32, #tpu.memory_space<hbm>>) target(%arg6 : memref<16384xf32, #tpu.memory_space<vmem>>) target_semaphore(%arg8 : memref<!tpu.dma_semaphore, #tpu.memory_space<semaphore_mem>>)
      } else {
      }
    }
    %scan3A_14 = arith.constant 16 : i32
    %mul3A_15 = arith.constant 512 : i32
    %mul3A_16 = arith.muli %add3A, %mul3A_15 : i32
    "tpu.region"() ({
      %run_scoped3A = tpu.sem_alloc : memref<!tpu.dma_semaphore, #tpu.memory_space<semaphore_mem>>
      %dma_start3A_17 = arith.constant 0 : i32
      %dma_start3A_18 = tpu.memref_slice %arg3[%mul3A_16, %dma_start3A_17] : memref<16384x128xi32, #tpu.memory_space<hbm>> -> memref<512x128xi32, #tpu.memory_space<hbm>>
      %dma_start3A_19 = arith.constant 0 : i32
      %dma_start3A_20 = tpu.memref_slice %arg3[%mul3A_16, %dma_start3A_19] : memref<16384x128xi32, #tpu.memory_space<hbm>> -> memref<512x128xi32, #tpu.memory_space<hbm>>
      tpu.enqueue_dma source(%arg4 : memref<512x128xi32, #tpu.memory_space<vmem>>) target(%dma_start3A_20 : memref<512x128xi32, #tpu.memory_space<hbm>>) target_semaphore(%run_scoped3A : memref<!tpu.dma_semaphore, #tpu.memory_space<semaphore_mem>>)
      %dma_wait3A = arith.constant 0 : i32
      %dma_wait3A_21 = tpu.memref_slice %arg3[%mul3A_16, %dma_wait3A] : memref<16384x128xi32, #tpu.memory_space<hbm>> -> memref<512x128xi32, #tpu.memory_space<hbm>>
      %dma_wait3A_22 = arith.constant 0 : i32
      %dma_wait3A_23 = tpu.memref_slice %arg3[%mul3A_16, %dma_wait3A_22] : memref<16384x128xi32, #tpu.memory_space<hbm>> -> memref<512x128xi32, #tpu.memory_space<hbm>>
      tpu.wait_dma2 semaphore(%run_scoped3A : memref<!tpu.dma_semaphore, #tpu.memory_space<semaphore_mem>>) src(%arg4 : memref<512x128xi32, #tpu.memory_space<vmem>>) dst(%dma_wait3A_23 : memref<512x128xi32, #tpu.memory_space<hbm>>)
      tpu.yield
    }) : () -> ()
    return
  }
}

module attributes {stable_mosaic.version = 14 : i64} {
  func.func @_pick_body(%arg0: memref<16384x128xi32, #tpu.memory_space<vmem>>, %arg1: memref<8x128xi32, #tpu.memory_space<vmem>>) attributes {dimension_semantics = [], scalar_prefetch = 0 : i64, scratch_operands = 0 : i64, tpu.core_type = #tpu.core_type<tc>} {
    %get3A = arith.constant 0 : index
    %get3A_0 = arith.constant 0 : index
    %get3A_1 = vector.load %arg0[%get3A, %get3A_0] : memref<16384x128xi32, #tpu.memory_space<vmem>>, vector<512x128xi32>
    %get3A_2 = arith.constant 512 : index
    %get3A_3 = arith.constant 0 : index
    %get3A_4 = vector.load %arg0[%get3A_2, %get3A_3] : memref<16384x128xi32, #tpu.memory_space<vmem>>, vector<512x128xi32>
    %add3A = arith.addi %get3A_1, %get3A_4 : vector<512x128xi32>
    %get3A_5 = arith.constant 1024 : index
    %get3A_6 = arith.constant 0 : index
    %get3A_7 = vector.load %arg0[%get3A_5, %get3A_6] : memref<16384x128xi32, #tpu.memory_space<vmem>>, vector<512x128xi32>
    %add3A_8 = arith.addi %add3A, %get3A_7 : vector<512x128xi32>
    %get3A_9 = arith.constant 1536 : index
    %get3A_10 = arith.constant 0 : index
    %get3A_11 = vector.load %arg0[%get3A_9, %get3A_10] : memref<16384x128xi32, #tpu.memory_space<vmem>>, vector<512x128xi32>
    %add3A_12 = arith.addi %add3A_8, %get3A_11 : vector<512x128xi32>
    %get3A_13 = arith.constant 2048 : index
    %get3A_14 = arith.constant 0 : index
    %get3A_15 = vector.load %arg0[%get3A_13, %get3A_14] : memref<16384x128xi32, #tpu.memory_space<vmem>>, vector<512x128xi32>
    %add3A_16 = arith.addi %add3A_12, %get3A_15 : vector<512x128xi32>
    %get3A_17 = arith.constant 2560 : index
    %get3A_18 = arith.constant 0 : index
    %get3A_19 = vector.load %arg0[%get3A_17, %get3A_18] : memref<16384x128xi32, #tpu.memory_space<vmem>>, vector<512x128xi32>
    %add3A_20 = arith.addi %add3A_16, %get3A_19 : vector<512x128xi32>
    %get3A_21 = arith.constant 3072 : index
    %get3A_22 = arith.constant 0 : index
    %get3A_23 = vector.load %arg0[%get3A_21, %get3A_22] : memref<16384x128xi32, #tpu.memory_space<vmem>>, vector<512x128xi32>
    %add3A_24 = arith.addi %add3A_20, %get3A_23 : vector<512x128xi32>
    %get3A_25 = arith.constant 3584 : index
    %get3A_26 = arith.constant 0 : index
    %get3A_27 = vector.load %arg0[%get3A_25, %get3A_26] : memref<16384x128xi32, #tpu.memory_space<vmem>>, vector<512x128xi32>
    %add3A_28 = arith.addi %add3A_24, %get3A_27 : vector<512x128xi32>
    %get3A_29 = arith.constant 4096 : index
    %get3A_30 = arith.constant 0 : index
    %get3A_31 = vector.load %arg0[%get3A_29, %get3A_30] : memref<16384x128xi32, #tpu.memory_space<vmem>>, vector<512x128xi32>
    %add3A_32 = arith.addi %add3A_28, %get3A_31 : vector<512x128xi32>
    %get3A_33 = arith.constant 4608 : index
    %get3A_34 = arith.constant 0 : index
    %get3A_35 = vector.load %arg0[%get3A_33, %get3A_34] : memref<16384x128xi32, #tpu.memory_space<vmem>>, vector<512x128xi32>
    %add3A_36 = arith.addi %add3A_32, %get3A_35 : vector<512x128xi32>
    %get3A_37 = arith.constant 5120 : index
    %get3A_38 = arith.constant 0 : index
    %get3A_39 = vector.load %arg0[%get3A_37, %get3A_38] : memref<16384x128xi32, #tpu.memory_space<vmem>>, vector<512x128xi32>
    %add3A_40 = arith.addi %add3A_36, %get3A_39 : vector<512x128xi32>
    %get3A_41 = arith.constant 5632 : index
    %get3A_42 = arith.constant 0 : index
    %get3A_43 = vector.load %arg0[%get3A_41, %get3A_42] : memref<16384x128xi32, #tpu.memory_space<vmem>>, vector<512x128xi32>
    %add3A_44 = arith.addi %add3A_40, %get3A_43 : vector<512x128xi32>
    %get3A_45 = arith.constant 6144 : index
    %get3A_46 = arith.constant 0 : index
    %get3A_47 = vector.load %arg0[%get3A_45, %get3A_46] : memref<16384x128xi32, #tpu.memory_space<vmem>>, vector<512x128xi32>
    %add3A_48 = arith.addi %add3A_44, %get3A_47 : vector<512x128xi32>
    %get3A_49 = arith.constant 6656 : index
    %get3A_50 = arith.constant 0 : index
    %get3A_51 = vector.load %arg0[%get3A_49, %get3A_50] : memref<16384x128xi32, #tpu.memory_space<vmem>>, vector<512x128xi32>
    %add3A_52 = arith.addi %add3A_48, %get3A_51 : vector<512x128xi32>
    %get3A_53 = arith.constant 7168 : index
    %get3A_54 = arith.constant 0 : index
    %get3A_55 = vector.load %arg0[%get3A_53, %get3A_54] : memref<16384x128xi32, #tpu.memory_space<vmem>>, vector<512x128xi32>
    %add3A_56 = arith.addi %add3A_52, %get3A_55 : vector<512x128xi32>
    %get3A_57 = arith.constant 7680 : index
    %get3A_58 = arith.constant 0 : index
    %get3A_59 = vector.load %arg0[%get3A_57, %get3A_58] : memref<16384x128xi32, #tpu.memory_space<vmem>>, vector<512x128xi32>
    %add3A_60 = arith.addi %add3A_56, %get3A_59 : vector<512x128xi32>
    %get3A_61 = arith.constant 8192 : index
    %get3A_62 = arith.constant 0 : index
    %get3A_63 = vector.load %arg0[%get3A_61, %get3A_62] : memref<16384x128xi32, #tpu.memory_space<vmem>>, vector<512x128xi32>
    %add3A_64 = arith.addi %add3A_60, %get3A_63 : vector<512x128xi32>
    %get3A_65 = arith.constant 8704 : index
    %get3A_66 = arith.constant 0 : index
    %get3A_67 = vector.load %arg0[%get3A_65, %get3A_66] : memref<16384x128xi32, #tpu.memory_space<vmem>>, vector<512x128xi32>
    %add3A_68 = arith.addi %add3A_64, %get3A_67 : vector<512x128xi32>
    %get3A_69 = arith.constant 9216 : index
    %get3A_70 = arith.constant 0 : index
    %get3A_71 = vector.load %arg0[%get3A_69, %get3A_70] : memref<16384x128xi32, #tpu.memory_space<vmem>>, vector<512x128xi32>
    %add3A_72 = arith.addi %add3A_68, %get3A_71 : vector<512x128xi32>
    %get3A_73 = arith.constant 9728 : index
    %get3A_74 = arith.constant 0 : index
    %get3A_75 = vector.load %arg0[%get3A_73, %get3A_74] : memref<16384x128xi32, #tpu.memory_space<vmem>>, vector<512x128xi32>
    %add3A_76 = arith.addi %add3A_72, %get3A_75 : vector<512x128xi32>
    %get3A_77 = arith.constant 10240 : index
    %get3A_78 = arith.constant 0 : index
    %get3A_79 = vector.load %arg0[%get3A_77, %get3A_78] : memref<16384x128xi32, #tpu.memory_space<vmem>>, vector<512x128xi32>
    %add3A_80 = arith.addi %add3A_76, %get3A_79 : vector<512x128xi32>
    %get3A_81 = arith.constant 10752 : index
    %get3A_82 = arith.constant 0 : index
    %get3A_83 = vector.load %arg0[%get3A_81, %get3A_82] : memref<16384x128xi32, #tpu.memory_space<vmem>>, vector<512x128xi32>
    %add3A_84 = arith.addi %add3A_80, %get3A_83 : vector<512x128xi32>
    %get3A_85 = arith.constant 11264 : index
    %get3A_86 = arith.constant 0 : index
    %get3A_87 = vector.load %arg0[%get3A_85, %get3A_86] : memref<16384x128xi32, #tpu.memory_space<vmem>>, vector<512x128xi32>
    %add3A_88 = arith.addi %add3A_84, %get3A_87 : vector<512x128xi32>
    %get3A_89 = arith.constant 11776 : index
    %get3A_90 = arith.constant 0 : index
    %get3A_91 = vector.load %arg0[%get3A_89, %get3A_90] : memref<16384x128xi32, #tpu.memory_space<vmem>>, vector<512x128xi32>
    %add3A_92 = arith.addi %add3A_88, %get3A_91 : vector<512x128xi32>
    %get3A_93 = arith.constant 12288 : index
    %get3A_94 = arith.constant 0 : index
    %get3A_95 = vector.load %arg0[%get3A_93, %get3A_94] : memref<16384x128xi32, #tpu.memory_space<vmem>>, vector<512x128xi32>
    %add3A_96 = arith.addi %add3A_92, %get3A_95 : vector<512x128xi32>
    %get3A_97 = arith.constant 12800 : index
    %get3A_98 = arith.constant 0 : index
    %get3A_99 = vector.load %arg0[%get3A_97, %get3A_98] : memref<16384x128xi32, #tpu.memory_space<vmem>>, vector<512x128xi32>
    %add3A_100 = arith.addi %add3A_96, %get3A_99 : vector<512x128xi32>
    %get3A_101 = arith.constant 13312 : index
    %get3A_102 = arith.constant 0 : index
    %get3A_103 = vector.load %arg0[%get3A_101, %get3A_102] : memref<16384x128xi32, #tpu.memory_space<vmem>>, vector<512x128xi32>
    %add3A_104 = arith.addi %add3A_100, %get3A_103 : vector<512x128xi32>
    %get3A_105 = arith.constant 13824 : index
    %get3A_106 = arith.constant 0 : index
    %get3A_107 = vector.load %arg0[%get3A_105, %get3A_106] : memref<16384x128xi32, #tpu.memory_space<vmem>>, vector<512x128xi32>
    %add3A_108 = arith.addi %add3A_104, %get3A_107 : vector<512x128xi32>
    %get3A_109 = arith.constant 14336 : index
    %get3A_110 = arith.constant 0 : index
    %get3A_111 = vector.load %arg0[%get3A_109, %get3A_110] : memref<16384x128xi32, #tpu.memory_space<vmem>>, vector<512x128xi32>
    %add3A_112 = arith.addi %add3A_108, %get3A_111 : vector<512x128xi32>
    %get3A_113 = arith.constant 14848 : index
    %get3A_114 = arith.constant 0 : index
    %get3A_115 = vector.load %arg0[%get3A_113, %get3A_114] : memref<16384x128xi32, #tpu.memory_space<vmem>>, vector<512x128xi32>
    %add3A_116 = arith.addi %add3A_112, %get3A_115 : vector<512x128xi32>
    %get3A_117 = arith.constant 15360 : index
    %get3A_118 = arith.constant 0 : index
    %get3A_119 = vector.load %arg0[%get3A_117, %get3A_118] : memref<16384x128xi32, #tpu.memory_space<vmem>>, vector<512x128xi32>
    %add3A_120 = arith.addi %add3A_116, %get3A_119 : vector<512x128xi32>
    %get3A_121 = arith.constant 15872 : index
    %get3A_122 = arith.constant 0 : index
    %get3A_123 = vector.load %arg0[%get3A_121, %get3A_122] : memref<16384x128xi32, #tpu.memory_space<vmem>>, vector<512x128xi32>
    %add3A_124 = arith.addi %add3A_120, %get3A_123 : vector<512x128xi32>
    %reduce_sum3A = arith.constant dense<0> : vector<512xi32>
    %reduce_sum3A_125 = vector.multi_reduction <add>, %add3A_124, %reduce_sum3A [1] : vector<512x128xi32> to vector<512xi32>
    %broadcast_in_dim3A = vector.shape_cast %reduce_sum3A_125 : vector<512xi32> to vector<512x1xi32>
    %broadcast_in_dim3A_126 = vector.shape_cast %broadcast_in_dim3A : vector<512x1xi32> to vector<512x1xi32>
    %broadcast_in_dim3A_127 = vector.broadcast %broadcast_in_dim3A_126 : vector<512x1xi32> to vector<512x128xi32>
    %slice3A = vector.extract_strided_slice %broadcast_in_dim3A_127 {offsets = [1, 0], sizes = [511, 128], strides = [1, 1]} : vector<512x128xi32> to vector<511x128xi32>
    %broadcast_in_dim3A_128 = arith.constant 0 : i32
    %broadcast_in_dim3A_129 = vector.broadcast %broadcast_in_dim3A_128 : i32 to vector<1x128xi32>
    %concatenate3A = tpu.concatenate %slice3A, %broadcast_in_dim3A_129 in 0 : vector<511x128xi32>, vector<1x128xi32> -> vector<512x128xi32>
    %add3A_130 = arith.addi %broadcast_in_dim3A_127, %concatenate3A : vector<512x128xi32>
    %slice3A_131 = vector.extract_strided_slice %add3A_130 {offsets = [2, 0], sizes = [510, 128], strides = [1, 1]} : vector<512x128xi32> to vector<510x128xi32>
    %broadcast_in_dim3A_132 = arith.constant 0 : i32
    %broadcast_in_dim3A_133 = vector.broadcast %broadcast_in_dim3A_132 : i32 to vector<2x128xi32>
    %concatenate3A_134 = tpu.concatenate %slice3A_131, %broadcast_in_dim3A_133 in 0 : vector<510x128xi32>, vector<2x128xi32> -> vector<512x128xi32>
    %add3A_135 = arith.addi %add3A_130, %concatenate3A_134 : vector<512x128xi32>
    %slice3A_136 = vector.extract_strided_slice %add3A_135 {offsets = [4, 0], sizes = [508, 128], strides = [1, 1]} : vector<512x128xi32> to vector<508x128xi32>
    %broadcast_in_dim3A_137 = arith.constant 0 : i32
    %broadcast_in_dim3A_138 = vector.broadcast %broadcast_in_dim3A_137 : i32 to vector<4x128xi32>
    %concatenate3A_139 = tpu.concatenate %slice3A_136, %broadcast_in_dim3A_138 in 0 : vector<508x128xi32>, vector<4x128xi32> -> vector<512x128xi32>
    %add3A_140 = arith.addi %add3A_135, %concatenate3A_139 : vector<512x128xi32>
    %slice3A_141 = vector.extract_strided_slice %add3A_140 {offsets = [8, 0], sizes = [504, 128], strides = [1, 1]} : vector<512x128xi32> to vector<504x128xi32>
    %broadcast_in_dim3A_142 = arith.constant 0 : i32
    %broadcast_in_dim3A_143 = vector.broadcast %broadcast_in_dim3A_142 : i32 to vector<8x128xi32>
    %concatenate3A_144 = tpu.concatenate %slice3A_141, %broadcast_in_dim3A_143 in 0 : vector<504x128xi32>, vector<8x128xi32> -> vector<512x128xi32>
    %add3A_145 = arith.addi %add3A_140, %concatenate3A_144 : vector<512x128xi32>
    %slice3A_146 = vector.extract_strided_slice %add3A_145 {offsets = [16, 0], sizes = [496, 128], strides = [1, 1]} : vector<512x128xi32> to vector<496x128xi32>
    %broadcast_in_dim3A_147 = arith.constant 0 : i32
    %broadcast_in_dim3A_148 = vector.broadcast %broadcast_in_dim3A_147 : i32 to vector<16x128xi32>
    %concatenate3A_149 = tpu.concatenate %slice3A_146, %broadcast_in_dim3A_148 in 0 : vector<496x128xi32>, vector<16x128xi32> -> vector<512x128xi32>
    %add3A_150 = arith.addi %add3A_145, %concatenate3A_149 : vector<512x128xi32>
    %slice3A_151 = vector.extract_strided_slice %add3A_150 {offsets = [32, 0], sizes = [480, 128], strides = [1, 1]} : vector<512x128xi32> to vector<480x128xi32>
    %broadcast_in_dim3A_152 = arith.constant 0 : i32
    %broadcast_in_dim3A_153 = vector.broadcast %broadcast_in_dim3A_152 : i32 to vector<32x128xi32>
    %concatenate3A_154 = tpu.concatenate %slice3A_151, %broadcast_in_dim3A_153 in 0 : vector<480x128xi32>, vector<32x128xi32> -> vector<512x128xi32>
    %add3A_155 = arith.addi %add3A_150, %concatenate3A_154 : vector<512x128xi32>
    %slice3A_156 = vector.extract_strided_slice %add3A_155 {offsets = [64, 0], sizes = [448, 128], strides = [1, 1]} : vector<512x128xi32> to vector<448x128xi32>
    %broadcast_in_dim3A_157 = arith.constant 0 : i32
    %broadcast_in_dim3A_158 = vector.broadcast %broadcast_in_dim3A_157 : i32 to vector<64x128xi32>
    %concatenate3A_159 = tpu.concatenate %slice3A_156, %broadcast_in_dim3A_158 in 0 : vector<448x128xi32>, vector<64x128xi32> -> vector<512x128xi32>
    %add3A_160 = arith.addi %add3A_155, %concatenate3A_159 : vector<512x128xi32>
    %slice3A_161 = vector.extract_strided_slice %add3A_160 {offsets = [128, 0], sizes = [384, 128], strides = [1, 1]} : vector<512x128xi32> to vector<384x128xi32>
    %broadcast_in_dim3A_162 = arith.constant 0 : i32
    %broadcast_in_dim3A_163 = vector.broadcast %broadcast_in_dim3A_162 : i32 to vector<128x128xi32>
    %concatenate3A_164 = tpu.concatenate %slice3A_161, %broadcast_in_dim3A_163 in 0 : vector<384x128xi32>, vector<128x128xi32> -> vector<512x128xi32>
    %add3A_165 = arith.addi %add3A_160, %concatenate3A_164 : vector<512x128xi32>
    %slice3A_166 = vector.extract_strided_slice %add3A_165 {offsets = [256, 0], sizes = [256, 128], strides = [1, 1]} : vector<512x128xi32> to vector<256x128xi32>
    %broadcast_in_dim3A_167 = arith.constant 0 : i32
    %broadcast_in_dim3A_168 = vector.broadcast %broadcast_in_dim3A_167 : i32 to vector<256x128xi32>
    %concatenate3A_169 = tpu.concatenate %slice3A_166, %broadcast_in_dim3A_168 in 0 : vector<256x128xi32>, vector<256x128xi32> -> vector<512x128xi32>
    %add3A_170 = arith.addi %add3A_165, %concatenate3A_169 : vector<512x128xi32>
    %iota3A = tpu.iota {dimensions = array<i32: 0>} : vector<512x128xi32>
    %ge3A = arith.constant 65536 : i32
    %ge3A_171 = vector.broadcast %ge3A : i32 to vector<512x128xi32>
    %ge3A_172 = arith.cmpi sge, %add3A_170, %ge3A_171 : vector<512x128xi32>
    %jit3A = arith.constant -1 : i32
    %broadcast_in_dim3A_173 = vector.broadcast %jit3A : i32 to vector<512x128xi32>
    %select_n3A = arith.select %ge3A_172, %iota3A, %broadcast_in_dim3A_173 : vector<512x128xi1>, vector<512x128xi32>
    %reduce_max3A = vector.shape_cast %select_n3A : vector<512x128xi32> to vector<1x512x128xi32>
    %reduce_max3A_174 = arith.constant dense<-2147483648> : vector<1xi32>
    %reduce_max3A_175 = vector.multi_reduction <maxsi>, %reduce_max3A, %reduce_max3A_174 [1, 2] : vector<1x512x128xi32> to vector<1xi32>
    %reduce_max3A_176 = vector.shape_cast %reduce_max3A_175 : vector<1xi32> to vector<1x1x1xi32>
    %reduce_max3A_177 = vector.extract %reduce_max3A_176[0, 0, 0] : i32 from vector<1x1x1xi32>
    %eq3A = vector.broadcast %reduce_max3A_177 : i32 to vector<512x128xi32>
    %eq3A_178 = arith.cmpi eq, %iota3A, %eq3A : vector<512x128xi32>
    %jit3A_179 = arith.constant 0 : i32
    %broadcast_in_dim3A_180 = vector.broadcast %jit3A_179 : i32 to vector<512x128xi32>
    %select_n3A_181 = arith.select %eq3A_178, %add3A_124, %broadcast_in_dim3A_180 : vector<512x128xi1>, vector<512x128xi32>
    %reduce_sum3A_182 = arith.constant dense<0> : vector<128xi32>
    %reduce_sum3A_183 = vector.multi_reduction <add>, %select_n3A_181, %reduce_sum3A_182 [0] : vector<512x128xi32> to vector<128xi32>
    %broadcast_in_dim3A_184 = vector.shape_cast %reduce_sum3A_183 : vector<128xi32> to vector<1x128xi32>
    %eq3A_185 = vector.broadcast %reduce_max3A_177 : i32 to vector<512x128xi32>
    %eq3A_186 = arith.cmpi eq, %iota3A, %eq3A_185 : vector<512x128xi32>
    %sub3A = arith.subi %add3A_170, %broadcast_in_dim3A_127 : vector<512x128xi32>
    %jit3A_187 = arith.constant 0 : i32
    %broadcast_in_dim3A_188 = vector.broadcast %jit3A_187 : i32 to vector<512x128xi32>
    %select_n3A_189 = arith.select %eq3A_186, %sub3A, %broadcast_in_dim3A_188 : vector<512x128xi1>, vector<512x128xi32>
    %reduce_max3A_190 = vector.shape_cast %select_n3A_189 : vector<512x128xi32> to vector<1x512x128xi32>
    %reduce_max3A_191 = arith.constant dense<-2147483648> : vector<1xi32>
    %reduce_max3A_192 = vector.multi_reduction <maxsi>, %reduce_max3A_190, %reduce_max3A_191 [1, 2] : vector<1x512x128xi32> to vector<1xi32>
    %reduce_max3A_193 = vector.shape_cast %reduce_max3A_192 : vector<1xi32> to vector<1x1x1xi32>
    %reduce_max3A_194 = vector.extract %reduce_max3A_193[0, 0, 0] : i32 from vector<1x1x1xi32>
    %slice3A_195 = vector.extract_strided_slice %broadcast_in_dim3A_184 {offsets = [0, 1], sizes = [1, 127], strides = [1, 1]} : vector<1x128xi32> to vector<1x127xi32>
    %broadcast_in_dim3A_196 = arith.constant 0 : i32
    %broadcast_in_dim3A_197 = vector.broadcast %broadcast_in_dim3A_196 : i32 to vector<1x1xi32>
    %concatenate3A_198 = tpu.concatenate %slice3A_195, %broadcast_in_dim3A_197 in 1 : vector<1x127xi32>, vector<1x1xi32> -> vector<1x128xi32>
    %add3A_199 = arith.addi %broadcast_in_dim3A_184, %concatenate3A_198 : vector<1x128xi32>
    %slice3A_200 = vector.extract_strided_slice %add3A_199 {offsets = [0, 2], sizes = [1, 126], strides = [1, 1]} : vector<1x128xi32> to vector<1x126xi32>
    %broadcast_in_dim3A_201 = arith.constant 0 : i32
    %broadcast_in_dim3A_202 = vector.broadcast %broadcast_in_dim3A_201 : i32 to vector<1x2xi32>
    %concatenate3A_203 = tpu.concatenate %slice3A_200, %broadcast_in_dim3A_202 in 1 : vector<1x126xi32>, vector<1x2xi32> -> vector<1x128xi32>
    %add3A_204 = arith.addi %add3A_199, %concatenate3A_203 : vector<1x128xi32>
    %slice3A_205 = vector.extract_strided_slice %add3A_204 {offsets = [0, 4], sizes = [1, 124], strides = [1, 1]} : vector<1x128xi32> to vector<1x124xi32>
    %broadcast_in_dim3A_206 = arith.constant 0 : i32
    %broadcast_in_dim3A_207 = vector.broadcast %broadcast_in_dim3A_206 : i32 to vector<1x4xi32>
    %concatenate3A_208 = tpu.concatenate %slice3A_205, %broadcast_in_dim3A_207 in 1 : vector<1x124xi32>, vector<1x4xi32> -> vector<1x128xi32>
    %add3A_209 = arith.addi %add3A_204, %concatenate3A_208 : vector<1x128xi32>
    %slice3A_210 = vector.extract_strided_slice %add3A_209 {offsets = [0, 8], sizes = [1, 120], strides = [1, 1]} : vector<1x128xi32> to vector<1x120xi32>
    %broadcast_in_dim3A_211 = arith.constant 0 : i32
    %broadcast_in_dim3A_212 = vector.broadcast %broadcast_in_dim3A_211 : i32 to vector<1x8xi32>
    %concatenate3A_213 = tpu.concatenate %slice3A_210, %broadcast_in_dim3A_212 in 1 : vector<1x120xi32>, vector<1x8xi32> -> vector<1x128xi32>
    %add3A_214 = arith.addi %add3A_209, %concatenate3A_213 : vector<1x128xi32>
    %slice3A_215 = vector.extract_strided_slice %add3A_214 {offsets = [0, 16], sizes = [1, 112], strides = [1, 1]} : vector<1x128xi32> to vector<1x112xi32>
    %broadcast_in_dim3A_216 = arith.constant 0 : i32
    %broadcast_in_dim3A_217 = vector.broadcast %broadcast_in_dim3A_216 : i32 to vector<1x16xi32>
    %concatenate3A_218 = tpu.concatenate %slice3A_215, %broadcast_in_dim3A_217 in 1 : vector<1x112xi32>, vector<1x16xi32> -> vector<1x128xi32>
    %add3A_219 = arith.addi %add3A_214, %concatenate3A_218 : vector<1x128xi32>
    %slice3A_220 = vector.extract_strided_slice %add3A_219 {offsets = [0, 32], sizes = [1, 96], strides = [1, 1]} : vector<1x128xi32> to vector<1x96xi32>
    %broadcast_in_dim3A_221 = arith.constant 0 : i32
    %broadcast_in_dim3A_222 = vector.broadcast %broadcast_in_dim3A_221 : i32 to vector<1x32xi32>
    %concatenate3A_223 = tpu.concatenate %slice3A_220, %broadcast_in_dim3A_222 in 1 : vector<1x96xi32>, vector<1x32xi32> -> vector<1x128xi32>
    %add3A_224 = arith.addi %add3A_219, %concatenate3A_223 : vector<1x128xi32>
    %slice3A_225 = vector.extract_strided_slice %add3A_224 {offsets = [0, 64], sizes = [1, 64], strides = [1, 1]} : vector<1x128xi32> to vector<1x64xi32>
    %broadcast_in_dim3A_226 = arith.constant 0 : i32
    %broadcast_in_dim3A_227 = vector.broadcast %broadcast_in_dim3A_226 : i32 to vector<1x64xi32>
    %concatenate3A_228 = tpu.concatenate %slice3A_225, %broadcast_in_dim3A_227 in 1 : vector<1x64xi32>, vector<1x64xi32> -> vector<1x128xi32>
    %add3A_229 = arith.addi %add3A_224, %concatenate3A_228 : vector<1x128xi32>
    %add3A_230 = vector.broadcast %reduce_max3A_194 : i32 to vector<1x128xi32>
    %add3A_231 = arith.addi %add3A_230, %add3A_229 : vector<1x128xi32>
    %iota3A_232 = tpu.iota {dimensions = array<i32: 1>} : vector<1x128xi32>
    %ge3A_233 = arith.constant 65536 : i32
    %ge3A_234 = vector.broadcast %ge3A_233 : i32 to vector<1x128xi32>
    %ge3A_235 = arith.cmpi sge, %add3A_231, %ge3A_234 : vector<1x128xi32>
    %jit3A_236 = arith.constant -1 : i32
    %broadcast_in_dim3A_237 = vector.broadcast %jit3A_236 : i32 to vector<1x128xi32>
    %select_n3A_238 = arith.select %ge3A_235, %iota3A_232, %broadcast_in_dim3A_237 : vector<1x128xi1>, vector<1x128xi32>
    %reduce_max3A_239 = vector.shape_cast %select_n3A_238 : vector<1x128xi32> to vector<1x1x128xi32>
    %reduce_max3A_240 = arith.constant dense<-2147483648> : vector<1xi32>
    %reduce_max3A_241 = vector.multi_reduction <maxsi>, %reduce_max3A_239, %reduce_max3A_240 [1, 2] : vector<1x1x128xi32> to vector<1xi32>
    %reduce_max3A_242 = vector.shape_cast %reduce_max3A_241 : vector<1xi32> to vector<1x1x1xi32>
    %reduce_max3A_243 = vector.extract %reduce_max3A_242[0, 0, 0] : i32 from vector<1x1x1xi32>
    %eq3A_244 = vector.broadcast %reduce_max3A_243 : i32 to vector<1x128xi32>
    %eq3A_245 = arith.cmpi eq, %iota3A_232, %eq3A_244 : vector<1x128xi32>
    %sub3A_246 = arith.subi %add3A_231, %broadcast_in_dim3A_184 : vector<1x128xi32>
    %jit3A_247 = arith.constant 0 : i32
    %broadcast_in_dim3A_248 = vector.broadcast %jit3A_247 : i32 to vector<1x128xi32>
    %select_n3A_249 = arith.select %eq3A_245, %sub3A_246, %broadcast_in_dim3A_248 : vector<1x128xi1>, vector<1x128xi32>
    %reduce_max3A_250 = vector.shape_cast %select_n3A_249 : vector<1x128xi32> to vector<1x1x128xi32>
    %reduce_max3A_251 = arith.constant dense<-2147483648> : vector<1xi32>
    %reduce_max3A_252 = vector.multi_reduction <maxsi>, %reduce_max3A_250, %reduce_max3A_251 [1, 2] : vector<1x1x128xi32> to vector<1xi32>
    %reduce_max3A_253 = vector.shape_cast %reduce_max3A_252 : vector<1xi32> to vector<1x1x1xi32>
    %reduce_max3A_254 = vector.extract %reduce_max3A_253[0, 0, 0] : i32 from vector<1x1x1xi32>
    %mul3A = arith.constant 128 : i32
    %mul3A_255 = arith.muli %reduce_max3A_177, %mul3A : i32
    %add3A_256 = arith.addi %mul3A_255, %reduce_max3A_243 : i32
    %sub3A_257 = arith.constant 65536 : i32
    %sub3A_258 = arith.subi %sub3A_257, %reduce_max3A_254 : i32
    %iota3A_259 = tpu.iota {dimensions = array<i32: 0>} : vector<8x128xi32>
    %eq3A_260 = arith.constant 0 : i32
    %eq3A_261 = vector.broadcast %eq3A_260 : i32 to vector<8x128xi32>
    %eq3A_262 = arith.cmpi eq, %iota3A_259, %eq3A_261 : vector<8x128xi32>
    %eq3A_263 = arith.constant 1 : i32
    %eq3A_264 = vector.broadcast %eq3A_263 : i32 to vector<8x128xi32>
    %eq3A_265 = arith.cmpi eq, %iota3A_259, %eq3A_264 : vector<8x128xi32>
    %jit3A_266 = arith.constant 0 : i32
    %broadcast_in_dim3A_267 = vector.broadcast %sub3A_258 : i32 to vector<8x128xi32>
    %broadcast_in_dim3A_268 = vector.broadcast %jit3A_266 : i32 to vector<8x128xi32>
    %select_n3A_269 = arith.select %eq3A_265, %broadcast_in_dim3A_267, %broadcast_in_dim3A_268 : vector<8x128xi1>, vector<8x128xi32>
    %broadcast_in_dim3A_270 = vector.broadcast %add3A_256 : i32 to vector<8x128xi32>
    %select_n3A_271 = arith.select %eq3A_262, %broadcast_in_dim3A_270, %select_n3A_269 : vector<8x128xi1>, vector<8x128xi32>
    %swap3A = arith.constant 0 : index
    %swap3A_272 = arith.constant 0 : index
    %swap3A_273 = vector.load %arg1[%swap3A, %swap3A_272] : memref<8x128xi32, #tpu.memory_space<vmem>>, vector<8x128xi32>
    tpu.vector_store %arg1[%swap3A, %swap3A_272], %select_n3A_271 {strides = array<i32>} : memref<8x128xi32, #tpu.memory_space<vmem>>, vector<8x128xi32>,
    return
  }
}

module attributes {stable_mosaic.version = 14 : i64} {
  func.func @_mask_body(%arg0: i32, %arg1: memref<8x128xi32, #tpu.memory_space<smem>>, %arg2: memref<8192x128xi32, #tpu.memory_space<vmem>>, %arg3: memref<4096x128xf32, #tpu.memory_space<vmem>>, %arg4: memref<4096x128xf32, #tpu.memory_space<vmem>>, %arg5: memref<4xi32, #tpu.memory_space<smem>>) attributes {dimension_semantics = [#tpu.dimension_semantics<arbitrary>], iteration_bounds = array<i64: 32>, scalar_prefetch = 0 : i64, scratch_operands = 1 : i64, tpu.core_type = #tpu.core_type<tc>, window_params = [{transform_indices = @transform_0, window_bounds = array<i64: 8, 128>}, {pipeline_mode = #tpu.pipeline_mode<synchronous>, transform_indices = @transform_1, window_bounds = array<i64: 8192, 128>}, {transform_indices = @transform_2, window_bounds = array<i64: 4096, 128>}, {transform_indices = @transform_3, window_bounds = array<i64: 4096, 128>}]} {
    %eq3A = arith.constant 0 : i32
    %eq3A_0 = arith.cmpi eq, %arg0, %eq3A : i32
    %convert_element_type3A = arith.extui %eq3A_0 : i1 to i32
    %cond3A = arith.constant 0 : i32
    %cond3A_1 = arith.cmpi ne, %convert_element_type3A, %cond3A : i32
    scf.if %cond3A_1 {
      %get3A_34 = arith.constant 0 : index
      %get3A_35 = arith.constant 0 : index
      %get3A_36 = memref.load %arg1[%get3A_34, %get3A_35] : memref<8x128xi32, #tpu.memory_space<smem>>
      %get3A_37 = arith.constant 1 : index
      %get3A_38 = arith.constant 0 : index
      %get3A_39 = memref.load %arg1[%get3A_37, %get3A_38] : memref<8x128xi32, #tpu.memory_space<smem>>
      %get3A_40 = arith.constant 0 : index
      %get3A_41 = arith.constant 0 : index
      %get3A_42 = vector.load %arg2[%get3A_40, %get3A_41] : memref<8192x128xi32, #tpu.memory_space<vmem>>, vector<256x128xi32>
      %get3A_43 = arith.constant 256 : index
      %get3A_44 = arith.constant 0 : index
      %get3A_45 = vector.load %arg2[%get3A_43, %get3A_44] : memref<8192x128xi32, #tpu.memory_space<vmem>>, vector<256x128xi32>
      %add3A_46 = arith.addi %get3A_42, %get3A_45 : vector<256x128xi32>
      %get3A_47 = arith.constant 512 : index
      %get3A_48 = arith.constant 0 : index
      %get3A_49 = vector.load %arg2[%get3A_47, %get3A_48] : memref<8192x128xi32, #tpu.memory_space<vmem>>, vector<256x128xi32>
      %add3A_50 = arith.addi %add3A_46, %get3A_49 : vector<256x128xi32>
      %get3A_51 = arith.constant 768 : index
      %get3A_52 = arith.constant 0 : index
      %get3A_53 = vector.load %arg2[%get3A_51, %get3A_52] : memref<8192x128xi32, #tpu.memory_space<vmem>>, vector<256x128xi32>
      %add3A_54 = arith.addi %add3A_50, %get3A_53 : vector<256x128xi32>
      %get3A_55 = arith.constant 1024 : index
      %get3A_56 = arith.constant 0 : index
      %get3A_57 = vector.load %arg2[%get3A_55, %get3A_56] : memref<8192x128xi32, #tpu.memory_space<vmem>>, vector<256x128xi32>
      %add3A_58 = arith.addi %add3A_54, %get3A_57 : vector<256x128xi32>
      %get3A_59 = arith.constant 1280 : index
      %get3A_60 = arith.constant 0 : index
      %get3A_61 = vector.load %arg2[%get3A_59, %get3A_60] : memref<8192x128xi32, #tpu.memory_space<vmem>>, vector<256x128xi32>
      %add3A_62 = arith.addi %add3A_58, %get3A_61 : vector<256x128xi32>
      %get3A_63 = arith.constant 1536 : index
      %get3A_64 = arith.constant 0 : index
      %get3A_65 = vector.load %arg2[%get3A_63, %get3A_64] : memref<8192x128xi32, #tpu.memory_space<vmem>>, vector<256x128xi32>
      %add3A_66 = arith.addi %add3A_62, %get3A_65 : vector<256x128xi32>
      %get3A_67 = arith.constant 1792 : index
      %get3A_68 = arith.constant 0 : index
      %get3A_69 = vector.load %arg2[%get3A_67, %get3A_68] : memref<8192x128xi32, #tpu.memory_space<vmem>>, vector<256x128xi32>
      %add3A_70 = arith.addi %add3A_66, %get3A_69 : vector<256x128xi32>
      %get3A_71 = arith.constant 2048 : index
      %get3A_72 = arith.constant 0 : index
      %get3A_73 = vector.load %arg2[%get3A_71, %get3A_72] : memref<8192x128xi32, #tpu.memory_space<vmem>>, vector<256x128xi32>
      %add3A_74 = arith.addi %add3A_70, %get3A_73 : vector<256x128xi32>
      %get3A_75 = arith.constant 2304 : index
      %get3A_76 = arith.constant 0 : index
      %get3A_77 = vector.load %arg2[%get3A_75, %get3A_76] : memref<8192x128xi32, #tpu.memory_space<vmem>>, vector<256x128xi32>
      %add3A_78 = arith.addi %add3A_74, %get3A_77 : vector<256x128xi32>
      %get3A_79 = arith.constant 2560 : index
      %get3A_80 = arith.constant 0 : index
      %get3A_81 = vector.load %arg2[%get3A_79, %get3A_80] : memref<8192x128xi32, #tpu.memory_space<vmem>>, vector<256x128xi32>
      %add3A_82 = arith.addi %add3A_78, %get3A_81 : vector<256x128xi32>
      %get3A_83 = arith.constant 2816 : index
      %get3A_84 = arith.constant 0 : index
      %get3A_85 = vector.load %arg2[%get3A_83, %get3A_84] : memref<8192x128xi32, #tpu.memory_space<vmem>>, vector<256x128xi32>
      %add3A_86 = arith.addi %add3A_82, %get3A_85 : vector<256x128xi32>
      %get3A_87 = arith.constant 3072 : index
      %get3A_88 = arith.constant 0 : index
      %get3A_89 = vector.load %arg2[%get3A_87, %get3A_88] : memref<8192x128xi32, #tpu.memory_space<vmem>>, vector<256x128xi32>
      %add3A_90 = arith.addi %add3A_86, %get3A_89 : vector<256x128xi32>
      %get3A_91 = arith.constant 3328 : index
      %get3A_92 = arith.constant 0 : index
      %get3A_93 = vector.load %arg2[%get3A_91, %get3A_92] : memref<8192x128xi32, #tpu.memory_space<vmem>>, vector<256x128xi32>
      %add3A_94 = arith.addi %add3A_90, %get3A_93 : vector<256x128xi32>
      %get3A_95 = arith.constant 3584 : index
      %get3A_96 = arith.constant 0 : index
      %get3A_97 = vector.load %arg2[%get3A_95, %get3A_96] : memref<8192x128xi32, #tpu.memory_space<vmem>>, vector<256x128xi32>
      %add3A_98 = arith.addi %add3A_94, %get3A_97 : vector<256x128xi32>
      %get3A_99 = arith.constant 3840 : index
      %get3A_100 = arith.constant 0 : index
      %get3A_101 = vector.load %arg2[%get3A_99, %get3A_100] : memref<8192x128xi32, #tpu.memory_space<vmem>>, vector<256x128xi32>
      %add3A_102 = arith.addi %add3A_98, %get3A_101 : vector<256x128xi32>
      %get3A_103 = arith.constant 4096 : index
      %get3A_104 = arith.constant 0 : index
      %get3A_105 = vector.load %arg2[%get3A_103, %get3A_104] : memref<8192x128xi32, #tpu.memory_space<vmem>>, vector<256x128xi32>
      %add3A_106 = arith.addi %add3A_102, %get3A_105 : vector<256x128xi32>
      %get3A_107 = arith.constant 4352 : index
      %get3A_108 = arith.constant 0 : index
      %get3A_109 = vector.load %arg2[%get3A_107, %get3A_108] : memref<8192x128xi32, #tpu.memory_space<vmem>>, vector<256x128xi32>
      %add3A_110 = arith.addi %add3A_106, %get3A_109 : vector<256x128xi32>
      %get3A_111 = arith.constant 4608 : index
      %get3A_112 = arith.constant 0 : index
      %get3A_113 = vector.load %arg2[%get3A_111, %get3A_112] : memref<8192x128xi32, #tpu.memory_space<vmem>>, vector<256x128xi32>
      %add3A_114 = arith.addi %add3A_110, %get3A_113 : vector<256x128xi32>
      %get3A_115 = arith.constant 4864 : index
      %get3A_116 = arith.constant 0 : index
      %get3A_117 = vector.load %arg2[%get3A_115, %get3A_116] : memref<8192x128xi32, #tpu.memory_space<vmem>>, vector<256x128xi32>
      %add3A_118 = arith.addi %add3A_114, %get3A_117 : vector<256x128xi32>
      %get3A_119 = arith.constant 5120 : index
      %get3A_120 = arith.constant 0 : index
      %get3A_121 = vector.load %arg2[%get3A_119, %get3A_120] : memref<8192x128xi32, #tpu.memory_space<vmem>>, vector<256x128xi32>
      %add3A_122 = arith.addi %add3A_118, %get3A_121 : vector<256x128xi32>
      %get3A_123 = arith.constant 5376 : index
      %get3A_124 = arith.constant 0 : index
      %get3A_125 = vector.load %arg2[%get3A_123, %get3A_124] : memref<8192x128xi32, #tpu.memory_space<vmem>>, vector<256x128xi32>
      %add3A_126 = arith.addi %add3A_122, %get3A_125 : vector<256x128xi32>
      %get3A_127 = arith.constant 5632 : index
      %get3A_128 = arith.constant 0 : index
      %get3A_129 = vector.load %arg2[%get3A_127, %get3A_128] : memref<8192x128xi32, #tpu.memory_space<vmem>>, vector<256x128xi32>
      %add3A_130 = arith.addi %add3A_126, %get3A_129 : vector<256x128xi32>
      %get3A_131 = arith.constant 5888 : index
      %get3A_132 = arith.constant 0 : index
      %get3A_133 = vector.load %arg2[%get3A_131, %get3A_132] : memref<8192x128xi32, #tpu.memory_space<vmem>>, vector<256x128xi32>
      %add3A_134 = arith.addi %add3A_130, %get3A_133 : vector<256x128xi32>
      %get3A_135 = arith.constant 6144 : index
      %get3A_136 = arith.constant 0 : index
      %get3A_137 = vector.load %arg2[%get3A_135, %get3A_136] : memref<8192x128xi32, #tpu.memory_space<vmem>>, vector<256x128xi32>
      %add3A_138 = arith.addi %add3A_134, %get3A_137 : vector<256x128xi32>
      %get3A_139 = arith.constant 6400 : index
      %get3A_140 = arith.constant 0 : index
      %get3A_141 = vector.load %arg2[%get3A_139, %get3A_140] : memref<8192x128xi32, #tpu.memory_space<vmem>>, vector<256x128xi32>
      %add3A_142 = arith.addi %add3A_138, %get3A_141 : vector<256x128xi32>
      %get3A_143 = arith.constant 6656 : index
      %get3A_144 = arith.constant 0 : index
      %get3A_145 = vector.load %arg2[%get3A_143, %get3A_144] : memref<8192x128xi32, #tpu.memory_space<vmem>>, vector<256x128xi32>
      %add3A_146 = arith.addi %add3A_142, %get3A_145 : vector<256x128xi32>
      %get3A_147 = arith.constant 6912 : index
      %get3A_148 = arith.constant 0 : index
      %get3A_149 = vector.load %arg2[%get3A_147, %get3A_148] : memref<8192x128xi32, #tpu.memory_space<vmem>>, vector<256x128xi32>
      %add3A_150 = arith.addi %add3A_146, %get3A_149 : vector<256x128xi32>
      %get3A_151 = arith.constant 7168 : index
      %get3A_152 = arith.constant 0 : index
      %get3A_153 = vector.load %arg2[%get3A_151, %get3A_152] : memref<8192x128xi32, #tpu.memory_space<vmem>>, vector<256x128xi32>
      %add3A_154 = arith.addi %add3A_150, %get3A_153 : vector<256x128xi32>
      %get3A_155 = arith.constant 7424 : index
      %get3A_156 = arith.constant 0 : index
      %get3A_157 = vector.load %arg2[%get3A_155, %get3A_156] : memref<8192x128xi32, #tpu.memory_space<vmem>>, vector<256x128xi32>
      %add3A_158 = arith.addi %add3A_154, %get3A_157 : vector<256x128xi32>
      %get3A_159 = arith.constant 7680 : index
      %get3A_160 = arith.constant 0 : index
      %get3A_161 = vector.load %arg2[%get3A_159, %get3A_160] : memref<8192x128xi32, #tpu.memory_space<vmem>>, vector<256x128xi32>
      %add3A_162 = arith.addi %add3A_158, %get3A_161 : vector<256x128xi32>
      %get3A_163 = arith.constant 7936 : index
      %get3A_164 = arith.constant 0 : index
      %get3A_165 = vector.load %arg2[%get3A_163, %get3A_164] : memref<8192x128xi32, #tpu.memory_space<vmem>>, vector<256x128xi32>
      %add3A_166 = arith.addi %add3A_162, %get3A_165 : vector<256x128xi32>
      %reduce_sum3A_167 = arith.constant dense<0> : vector<256xi32>
      %reduce_sum3A_168 = vector.multi_reduction <add>, %add3A_166, %reduce_sum3A_167 [1] : vector<256x128xi32> to vector<256xi32>
      %broadcast_in_dim3A = vector.shape_cast %reduce_sum3A_168 : vector<256xi32> to vector<256x1xi32>
      %broadcast_in_dim3A_169 = vector.shape_cast %broadcast_in_dim3A : vector<256x1xi32> to vector<256x1xi32>
      %broadcast_in_dim3A_170 = vector.broadcast %broadcast_in_dim3A_169 : vector<256x1xi32> to vector<256x128xi32>
      %slice3A = vector.extract_strided_slice %broadcast_in_dim3A_170 {offsets = [1, 0], sizes = [255, 128], strides = [1, 1]} : vector<256x128xi32> to vector<255x128xi32>
      %broadcast_in_dim3A_171 = arith.constant 0 : i32
      %broadcast_in_dim3A_172 = vector.broadcast %broadcast_in_dim3A_171 : i32 to vector<1x128xi32>
      %concatenate3A = tpu.concatenate %slice3A, %broadcast_in_dim3A_172 in 0 : vector<255x128xi32>, vector<1x128xi32> -> vector<256x128xi32>
      %add3A_173 = arith.addi %broadcast_in_dim3A_170, %concatenate3A : vector<256x128xi32>
      %slice3A_174 = vector.extract_strided_slice %add3A_173 {offsets = [2, 0], sizes = [254, 128], strides = [1, 1]} : vector<256x128xi32> to vector<254x128xi32>
      %broadcast_in_dim3A_175 = arith.constant 0 : i32
      %broadcast_in_dim3A_176 = vector.broadcast %broadcast_in_dim3A_175 : i32 to vector<2x128xi32>
      %concatenate3A_177 = tpu.concatenate %slice3A_174, %broadcast_in_dim3A_176 in 0 : vector<254x128xi32>, vector<2x128xi32> -> vector<256x128xi32>
      %add3A_178 = arith.addi %add3A_173, %concatenate3A_177 : vector<256x128xi32>
      %slice3A_179 = vector.extract_strided_slice %add3A_178 {offsets = [4, 0], sizes = [252, 128], strides = [1, 1]} : vector<256x128xi32> to vector<252x128xi32>
      %broadcast_in_dim3A_180 = arith.constant 0 : i32
      %broadcast_in_dim3A_181 = vector.broadcast %broadcast_in_dim3A_180 : i32 to vector<4x128xi32>
      %concatenate3A_182 = tpu.concatenate %slice3A_179, %broadcast_in_dim3A_181 in 0 : vector<252x128xi32>, vector<4x128xi32> -> vector<256x128xi32>
      %add3A_183 = arith.addi %add3A_178, %concatenate3A_182 : vector<256x128xi32>
      %slice3A_184 = vector.extract_strided_slice %add3A_183 {offsets = [8, 0], sizes = [248, 128], strides = [1, 1]} : vector<256x128xi32> to vector<248x128xi32>
      %broadcast_in_dim3A_185 = arith.constant 0 : i32
      %broadcast_in_dim3A_186 = vector.broadcast %broadcast_in_dim3A_185 : i32 to vector<8x128xi32>
      %concatenate3A_187 = tpu.concatenate %slice3A_184, %broadcast_in_dim3A_186 in 0 : vector<248x128xi32>, vector<8x128xi32> -> vector<256x128xi32>
      %add3A_188 = arith.addi %add3A_183, %concatenate3A_187 : vector<256x128xi32>
      %slice3A_189 = vector.extract_strided_slice %add3A_188 {offsets = [16, 0], sizes = [240, 128], strides = [1, 1]} : vector<256x128xi32> to vector<240x128xi32>
      %broadcast_in_dim3A_190 = arith.constant 0 : i32
      %broadcast_in_dim3A_191 = vector.broadcast %broadcast_in_dim3A_190 : i32 to vector<16x128xi32>
      %concatenate3A_192 = tpu.concatenate %slice3A_189, %broadcast_in_dim3A_191 in 0 : vector<240x128xi32>, vector<16x128xi32> -> vector<256x128xi32>
      %add3A_193 = arith.addi %add3A_188, %concatenate3A_192 : vector<256x128xi32>
      %slice3A_194 = vector.extract_strided_slice %add3A_193 {offsets = [32, 0], sizes = [224, 128], strides = [1, 1]} : vector<256x128xi32> to vector<224x128xi32>
      %broadcast_in_dim3A_195 = arith.constant 0 : i32
      %broadcast_in_dim3A_196 = vector.broadcast %broadcast_in_dim3A_195 : i32 to vector<32x128xi32>
      %concatenate3A_197 = tpu.concatenate %slice3A_194, %broadcast_in_dim3A_196 in 0 : vector<224x128xi32>, vector<32x128xi32> -> vector<256x128xi32>
      %add3A_198 = arith.addi %add3A_193, %concatenate3A_197 : vector<256x128xi32>
      %slice3A_199 = vector.extract_strided_slice %add3A_198 {offsets = [64, 0], sizes = [192, 128], strides = [1, 1]} : vector<256x128xi32> to vector<192x128xi32>
      %broadcast_in_dim3A_200 = arith.constant 0 : i32
      %broadcast_in_dim3A_201 = vector.broadcast %broadcast_in_dim3A_200 : i32 to vector<64x128xi32>
      %concatenate3A_202 = tpu.concatenate %slice3A_199, %broadcast_in_dim3A_201 in 0 : vector<192x128xi32>, vector<64x128xi32> -> vector<256x128xi32>
      %add3A_203 = arith.addi %add3A_198, %concatenate3A_202 : vector<256x128xi32>
      %slice3A_204 = vector.extract_strided_slice %add3A_203 {offsets = [128, 0], sizes = [128, 128], strides = [1, 1]} : vector<256x128xi32> to vector<128x128xi32>
      %broadcast_in_dim3A_205 = arith.constant 0 : i32
      %broadcast_in_dim3A_206 = vector.broadcast %broadcast_in_dim3A_205 : i32 to vector<128x128xi32>
      %concatenate3A_207 = tpu.concatenate %slice3A_204, %broadcast_in_dim3A_206 in 0 : vector<128x128xi32>, vector<128x128xi32> -> vector<256x128xi32>
      %add3A_208 = arith.addi %add3A_203, %concatenate3A_207 : vector<256x128xi32>
      %iota3A = tpu.iota {dimensions = array<i32: 0>} : vector<256x128xi32>
      %ge3A = vector.broadcast %get3A_39 : i32 to vector<256x128xi32>
      %ge3A_209 = arith.cmpi sge, %add3A_208, %ge3A : vector<256x128xi32>
      %jit3A = arith.constant -1 : i32
      %broadcast_in_dim3A_210 = vector.broadcast %jit3A : i32 to vector<256x128xi32>
      %select_n3A = arith.select %ge3A_209, %iota3A, %broadcast_in_dim3A_210 : vector<256x128xi1>, vector<256x128xi32>
      %reduce_max3A = vector.shape_cast %select_n3A : vector<256x128xi32> to vector<1x256x128xi32>
      %reduce_max3A_211 = arith.constant dense<-2147483648> : vector<1xi32>
      %reduce_max3A_212 = vector.multi_reduction <maxsi>, %reduce_max3A, %reduce_max3A_211 [1, 2] : vector<1x256x128xi32> to vector<1xi32>
      %reduce_max3A_213 = vector.shape_cast %reduce_max3A_212 : vector<1xi32> to vector<1x1x1xi32>
      %reduce_max3A_214 = vector.extract %reduce_max3A_213[0, 0, 0] : i32 from vector<1x1x1xi32>
      %eq3A_215 = vector.broadcast %reduce_max3A_214 : i32 to vector<256x128xi32>
      %eq3A_216 = arith.cmpi eq, %iota3A, %eq3A_215 : vector<256x128xi32>
      %jit3A_217 = arith.constant 0 : i32
      %broadcast_in_dim3A_218 = vector.broadcast %jit3A_217 : i32 to vector<256x128xi32>
      %select_n3A_219 = arith.select %eq3A_216, %add3A_166, %broadcast_in_dim3A_218 : vector<256x128xi1>, vector<256x128xi32>
      %reduce_sum3A_220 = arith.constant dense<0> : vector<128xi32>
      %reduce_sum3A_221 = vector.multi_reduction <add>, %select_n3A_219, %reduce_sum3A_220 [0] : vector<256x128xi32> to vector<128xi32>
      %broadcast_in_dim3A_222 = vector.shape_cast %reduce_sum3A_221 : vector<128xi32> to vector<1x128xi32>
      %eq3A_223 = vector.broadcast %reduce_max3A_214 : i32 to vector<256x128xi32>
      %eq3A_224 = arith.cmpi eq, %iota3A, %eq3A_223 : vector<256x128xi32>
      %sub3A = arith.subi %add3A_208, %broadcast_in_dim3A_170 : vector<256x128xi32>
      %jit3A_225 = arith.constant 0 : i32
      %broadcast_in_dim3A_226 = vector.broadcast %jit3A_225 : i32 to vector<256x128xi32>
      %select_n3A_227 = arith.select %eq3A_224, %sub3A, %broadcast_in_dim3A_226 : vector<256x128xi1>, vector<256x128xi32>
      %reduce_max3A_228 = vector.shape_cast %select_n3A_227 : vector<256x128xi32> to vector<1x256x128xi32>
      %reduce_max3A_229 = arith.constant dense<-2147483648> : vector<1xi32>
      %reduce_max3A_230 = vector.multi_reduction <maxsi>, %reduce_max3A_228, %reduce_max3A_229 [1, 2] : vector<1x256x128xi32> to vector<1xi32>
      %reduce_max3A_231 = vector.shape_cast %reduce_max3A_230 : vector<1xi32> to vector<1x1x1xi32>
      %reduce_max3A_232 = vector.extract %reduce_max3A_231[0, 0, 0] : i32 from vector<1x1x1xi32>
      %slice3A_233 = vector.extract_strided_slice %broadcast_in_dim3A_222 {offsets = [0, 1], sizes = [1, 127], strides = [1, 1]} : vector<1x128xi32> to vector<1x127xi32>
      %broadcast_in_dim3A_234 = arith.constant 0 : i32
      %broadcast_in_dim3A_235 = vector.broadcast %broadcast_in_dim3A_234 : i32 to vector<1x1xi32>
      %concatenate3A_236 = tpu.concatenate %slice3A_233, %broadcast_in_dim3A_235 in 1 : vector<1x127xi32>, vector<1x1xi32> -> vector<1x128xi32>
      %add3A_237 = arith.addi %broadcast_in_dim3A_222, %concatenate3A_236 : vector<1x128xi32>
      %slice3A_238 = vector.extract_strided_slice %add3A_237 {offsets = [0, 2], sizes = [1, 126], strides = [1, 1]} : vector<1x128xi32> to vector<1x126xi32>
      %broadcast_in_dim3A_239 = arith.constant 0 : i32
      %broadcast_in_dim3A_240 = vector.broadcast %broadcast_in_dim3A_239 : i32 to vector<1x2xi32>
      %concatenate3A_241 = tpu.concatenate %slice3A_238, %broadcast_in_dim3A_240 in 1 : vector<1x126xi32>, vector<1x2xi32> -> vector<1x128xi32>
      %add3A_242 = arith.addi %add3A_237, %concatenate3A_241 : vector<1x128xi32>
      %slice3A_243 = vector.extract_strided_slice %add3A_242 {offsets = [0, 4], sizes = [1, 124], strides = [1, 1]} : vector<1x128xi32> to vector<1x124xi32>
      %broadcast_in_dim3A_244 = arith.constant 0 : i32
      %broadcast_in_dim3A_245 = vector.broadcast %broadcast_in_dim3A_244 : i32 to vector<1x4xi32>
      %concatenate3A_246 = tpu.concatenate %slice3A_243, %broadcast_in_dim3A_245 in 1 : vector<1x124xi32>, vector<1x4xi32> -> vector<1x128xi32>
      %add3A_247 = arith.addi %add3A_242, %concatenate3A_246 : vector<1x128xi32>
      %slice3A_248 = vector.extract_strided_slice %add3A_247 {offsets = [0, 8], sizes = [1, 120], strides = [1, 1]} : vector<1x128xi32> to vector<1x120xi32>
      %broadcast_in_dim3A_249 = arith.constant 0 : i32
      %broadcast_in_dim3A_250 = vector.broadcast %broadcast_in_dim3A_249 : i32 to vector<1x8xi32>
      %concatenate3A_251 = tpu.concatenate %slice3A_248, %broadcast_in_dim3A_250 in 1 : vector<1x120xi32>, vector<1x8xi32> -> vector<1x128xi32>
      %add3A_252 = arith.addi %add3A_247, %concatenate3A_251 : vector<1x128xi32>
      %slice3A_253 = vector.extract_strided_slice %add3A_252 {offsets = [0, 16], sizes = [1, 112], strides = [1, 1]} : vector<1x128xi32> to vector<1x112xi32>
      %broadcast_in_dim3A_254 = arith.constant 0 : i32
      %broadcast_in_dim3A_255 = vector.broadcast %broadcast_in_dim3A_254 : i32 to vector<1x16xi32>
      %concatenate3A_256 = tpu.concatenate %slice3A_253, %broadcast_in_dim3A_255 in 1 : vector<1x112xi32>, vector<1x16xi32> -> vector<1x128xi32>
      %add3A_257 = arith.addi %add3A_252, %concatenate3A_256 : vector<1x128xi32>
      %slice3A_258 = vector.extract_strided_slice %add3A_257 {offsets = [0, 32], sizes = [1, 96], strides = [1, 1]} : vector<1x128xi32> to vector<1x96xi32>
      %broadcast_in_dim3A_259 = arith.constant 0 : i32
      %broadcast_in_dim3A_260 = vector.broadcast %broadcast_in_dim3A_259 : i32 to vector<1x32xi32>
      %concatenate3A_261 = tpu.concatenate %slice3A_258, %broadcast_in_dim3A_260 in 1 : vector<1x96xi32>, vector<1x32xi32> -> vector<1x128xi32>
      %add3A_262 = arith.addi %add3A_257, %concatenate3A_261 : vector<1x128xi32>
      %slice3A_263 = vector.extract_strided_slice %add3A_262 {offsets = [0, 64], sizes = [1, 64], strides = [1, 1]} : vector<1x128xi32> to vector<1x64xi32>
      %broadcast_in_dim3A_264 = arith.constant 0 : i32
      %broadcast_in_dim3A_265 = vector.broadcast %broadcast_in_dim3A_264 : i32 to vector<1x64xi32>
      %concatenate3A_266 = tpu.concatenate %slice3A_263, %broadcast_in_dim3A_265 in 1 : vector<1x64xi32>, vector<1x64xi32> -> vector<1x128xi32>
      %add3A_267 = arith.addi %add3A_262, %concatenate3A_266 : vector<1x128xi32>
      %add3A_268 = vector.broadcast %reduce_max3A_232 : i32 to vector<1x128xi32>
      %add3A_269 = arith.addi %add3A_268, %add3A_267 : vector<1x128xi32>
      %iota3A_270 = tpu.iota {dimensions = array<i32: 1>} : vector<1x128xi32>
      %ge3A_271 = vector.broadcast %get3A_39 : i32 to vector<1x128xi32>
      %ge3A_272 = arith.cmpi sge, %add3A_269, %ge3A_271 : vector<1x128xi32>
      %jit3A_273 = arith.constant -1 : i32
      %broadcast_in_dim3A_274 = vector.broadcast %jit3A_273 : i32 to vector<1x128xi32>
      %select_n3A_275 = arith.select %ge3A_272, %iota3A_270, %broadcast_in_dim3A_274 : vector<1x128xi1>, vector<1x128xi32>
      %reduce_max3A_276 = vector.shape_cast %select_n3A_275 : vector<1x128xi32> to vector<1x1x128xi32>
      %reduce_max3A_277 = arith.constant dense<-2147483648> : vector<1xi32>
      %reduce_max3A_278 = vector.multi_reduction <maxsi>, %reduce_max3A_276, %reduce_max3A_277 [1, 2] : vector<1x1x128xi32> to vector<1xi32>
      %reduce_max3A_279 = vector.shape_cast %reduce_max3A_278 : vector<1xi32> to vector<1x1x1xi32>
      %reduce_max3A_280 = vector.extract %reduce_max3A_279[0, 0, 0] : i32 from vector<1x1x1xi32>
      %eq3A_281 = vector.broadcast %reduce_max3A_280 : i32 to vector<1x128xi32>
      %eq3A_282 = arith.cmpi eq, %iota3A_270, %eq3A_281 : vector<1x128xi32>
      %sub3A_283 = arith.subi %add3A_269, %broadcast_in_dim3A_222 : vector<1x128xi32>
      %jit3A_284 = arith.constant 0 : i32
      %broadcast_in_dim3A_285 = vector.broadcast %jit3A_284 : i32 to vector<1x128xi32>
      %select_n3A_286 = arith.select %eq3A_282, %sub3A_283, %broadcast_in_dim3A_285 : vector<1x128xi1>, vector<1x128xi32>
      %reduce_max3A_287 = vector.shape_cast %select_n3A_286 : vector<1x128xi32> to vector<1x1x128xi32>
      %reduce_max3A_288 = arith.constant dense<-2147483648> : vector<1xi32>
      %reduce_max3A_289 = vector.multi_reduction <maxsi>, %reduce_max3A_287, %reduce_max3A_288 [1, 2] : vector<1x1x128xi32> to vector<1xi32>
      %reduce_max3A_290 = vector.shape_cast %reduce_max3A_289 : vector<1xi32> to vector<1x1x1xi32>
      %reduce_max3A_291 = vector.extract %reduce_max3A_290[0, 0, 0] : i32 from vector<1x1x1xi32>
      %eq3A_292 = vector.broadcast %reduce_max3A_280 : i32 to vector<1x128xi32>
      %eq3A_293 = arith.cmpi eq, %iota3A_270, %eq3A_292 : vector<1x128xi32>
      %jit3A_294 = arith.constant 0 : i32
      %broadcast_in_dim3A_295 = vector.broadcast %jit3A_294 : i32 to vector<1x128xi32>
      %select_n3A_296 = arith.select %eq3A_293, %broadcast_in_dim3A_222, %broadcast_in_dim3A_295 : vector<1x128xi1>, vector<1x128xi32>
      %reduce_max3A_297 = vector.shape_cast %select_n3A_296 : vector<1x128xi32> to vector<1x1x128xi32>
      %reduce_max3A_298 = arith.constant dense<-2147483648> : vector<1xi32>
      %reduce_max3A_299 = vector.multi_reduction <maxsi>, %reduce_max3A_297, %reduce_max3A_298 [1, 2] : vector<1x1x128xi32> to vector<1xi32>
      %reduce_max3A_300 = vector.shape_cast %reduce_max3A_299 : vector<1xi32> to vector<1x1x1xi32>
      %reduce_max3A_301 = vector.extract %reduce_max3A_300[0, 0, 0] : i32 from vector<1x1x1xi32>
      %mul3A = arith.constant 128 : i32
      %mul3A_302 = arith.muli %reduce_max3A_214, %mul3A : i32
      %add3A_303 = arith.addi %mul3A_302, %reduce_max3A_280 : i32
      %sub3A_304 = arith.subi %get3A_39, %reduce_max3A_291 : i32
      %shift_left3A = arith.constant 15 : i32
      %shift_left3A_305 = arith.shli %get3A_36, %shift_left3A : i32
      %or3A_306 = arith.ori %shift_left3A_305, %add3A_303 : i32
      %swap3A_307 = arith.constant 0 : index
      %swap3A_308 = memref.load %arg5[%swap3A_307] : memref<4xi32, #tpu.memory_space<smem>>
      memref.store %or3A_306, %arg5[%swap3A_307] : memref<4xi32, #tpu.memory_space<smem>>
      %swap3A_309 = arith.constant 1 : index
      %swap3A_310 = memref.load %arg5[%swap3A_309] : memref<4xi32, #tpu.memory_space<smem>>
      memref.store %sub3A_304, %arg5[%swap3A_309] : memref<4xi32, #tpu.memory_space<smem>>
      %swap3A_311 = arith.constant 2 : index
      %swap3A_312 = memref.load %arg5[%swap3A_311] : memref<4xi32, #tpu.memory_space<smem>>
      memref.store %reduce_max3A_301, %arg5[%swap3A_311] : memref<4xi32, #tpu.memory_space<smem>>
      %swap3A_313 = arith.constant 0 : i32
      %swap3A_314 = arith.constant 3 : index
      %swap3A_315 = memref.load %arg5[%swap3A_314] : memref<4xi32, #tpu.memory_space<smem>>
      memref.store %swap3A_313, %arg5[%swap3A_314] : memref<4xi32, #tpu.memory_space<smem>>
    } else {
    }
    %get3A = arith.constant 0 : index
    %get3A_2 = memref.load %arg5[%get3A] : memref<4xi32, #tpu.memory_space<smem>>
    %get3A_3 = arith.constant 1 : index
    %get3A_4 = memref.load %arg5[%get3A_3] : memref<4xi32, #tpu.memory_space<smem>>
    %get3A_5 = arith.constant 2 : index
    %get3A_6 = memref.load %arg5[%get3A_5] : memref<4xi32, #tpu.memory_space<smem>>
    %get3A_7 = arith.constant 3 : index
    %get3A_8 = memref.load %arg5[%get3A_7] : memref<4xi32, #tpu.memory_space<smem>>
    %get3A_9 = arith.constant 0 : index
    %get3A_10 = arith.constant 0 : index
    %get3A_11 = vector.load %arg3[%get3A_9, %get3A_10] : memref<4096x128xf32, #tpu.memory_space<vmem>>, vector<4096x128xf32>
    %bitcast_convert_type3A = tpu.bitcast %get3A_11 : vector<4096x128xf32> -> vector<4096x128xi32>
    %and3A = arith.constant 2147483647 : i32
    %and3A_12 = vector.broadcast %and3A : i32 to vector<4096x128xi32>
    %and3A_13 = arith.andi %bitcast_convert_type3A, %and3A_12 : vector<4096x128xi32>
    %eq3A_14 = vector.broadcast %get3A_2 : i32 to vector<4096x128xi32>
    %eq3A_15 = arith.cmpi eq, %and3A_13, %eq3A_14 : vector<4096x128xi32>
    %convert_element_type3A_16 = arith.extui %eq3A_15 : vector<4096x128xi1> to vector<4096x128xi32>
    %reduce_sum3A = vector.shape_cast %convert_element_type3A_16 : vector<4096x128xi32> to vector<1x4096x128xi32>
    %reduce_sum3A_17 = arith.constant dense<0> : vector<1xi32>
    %reduce_sum3A_18 = vector.multi_reduction <add>, %reduce_sum3A, %reduce_sum3A_17 [1, 2] : vector<1x4096x128xi32> to vector<1xi32>
    %reduce_sum3A_19 = vector.shape_cast %reduce_sum3A_18 : vector<1xi32> to vector<1x1x1xi32>
    %reduce_sum3A_20 = vector.extract %reduce_sum3A_19[0, 0, 0] : i32 from vector<1x1x1xi32>
    %eq3A_21 = arith.constant 0 : i32
    %eq3A_22 = arith.cmpi eq, %reduce_sum3A_20, %eq3A_21 : i32
    %eq3A_23 = arith.cmpi eq, %get3A_4, %get3A_6 : i32
    %or3A = arith.ori %eq3A_22, %eq3A_23 : i1
    %convert_element_type3A_24 = arith.extui %or3A : i1 to i32
    %cond3A_25 = arith.constant 0 : i32
    %cond3A_26 = arith.cmpi ne, %convert_element_type3A_24, %cond3A_25 : i32
    scf.if %cond3A_26 {
      %ge3A = vector.broadcast %get3A_2 : i32 to vector<4096x128xi32>
      %ge3A_34 = arith.cmpi sge, %and3A_13, %ge3A : vector<4096x128xi32>
      %jit3A = arith.constant 1.000000e+00 : f32
      %jit3A_35 = arith.constant 0.000000e+00 : f32
      %broadcast_in_dim3A = vector.broadcast %jit3A : f32 to vector<4096x128xf32>
      %broadcast_in_dim3A_36 = vector.broadcast %jit3A_35 : f32 to vector<4096x128xf32>
      %select_n3A = arith.select %ge3A_34, %broadcast_in_dim3A, %broadcast_in_dim3A_36 : vector<4096x128xi1>, vector<4096x128xf32>
      %swap3A_37 = arith.constant 0 : index
      %swap3A_38 = arith.constant 0 : index
      %swap3A_39 = vector.load %arg4[%swap3A_37, %swap3A_38] : memref<4096x128xf32, #tpu.memory_space<vmem>>, vector<4096x128xf32>
      tpu.vector_store %arg4[%swap3A_37, %swap3A_38], %select_n3A {strides = array<i32>} : memref<4096x128xf32, #tpu.memory_space<vmem>>, vector<4096x128xf32>,
    } else {
    }
    %ne3A = arith.constant 0 : i32
    %ne3A_27 = arith.cmpi ne, %reduce_sum3A_20, %ne3A : i32
    %ne3A_28 = arith.cmpi ne, %get3A_4, %get3A_6 : i32
    %and3A_29 = arith.andi %ne3A_27, %ne3A_28 : i1
    %convert_element_type3A_30 = arith.extui %and3A_29 : i1 to i32
    %cond3A_31 = arith.constant 0 : i32
    %cond3A_32 = arith.cmpi ne, %convert_element_type3A_30, %cond3A_31 : i32
    scf.if %cond3A_32 {
      %broadcast_in_dim3A = arith.constant 0 : i32
      %broadcast_in_dim3A_34 = vector.broadcast %broadcast_in_dim3A : i32 to vector<4096x1xi32>
      %slice3A = vector.extract_strided_slice %convert_element_type3A_16 {offsets = [0, 0], sizes = [4096, 127], strides = [1, 1]} : vector<4096x128xi32> to vector<4096x127xi32>
      %concatenate3A = tpu.concatenate %broadcast_in_dim3A_34, %slice3A in 1 : vector<4096x1xi32>, vector<4096x127xi32> -> vector<4096x128xi32>
      %add3A_35 = arith.addi %convert_element_type3A_16, %concatenate3A : vector<4096x128xi32>
      %broadcast_in_dim3A_36 = arith.constant 0 : i32
      %broadcast_in_dim3A_37 = vector.broadcast %broadcast_in_dim3A_36 : i32 to vector<4096x2xi32>
      %slice3A_38 = vector.extract_strided_slice %add3A_35 {offsets = [0, 0], sizes = [4096, 126], strides = [1, 1]} : vector<4096x128xi32> to vector<4096x126xi32>
      %concatenate3A_39 = tpu.concatenate %broadcast_in_dim3A_37, %slice3A_38 in 1 : vector<4096x2xi32>, vector<4096x126xi32> -> vector<4096x128xi32>
      %add3A_40 = arith.addi %add3A_35, %concatenate3A_39 : vector<4096x128xi32>
      %broadcast_in_dim3A_41 = arith.constant 0 : i32
      %broadcast_in_dim3A_42 = vector.broadcast %broadcast_in_dim3A_41 : i32 to vector<4096x4xi32>
      %slice3A_43 = vector.extract_strided_slice %add3A_40 {offsets = [0, 0], sizes = [4096, 124], strides = [1, 1]} : vector<4096x128xi32> to vector<4096x124xi32>
      %concatenate3A_44 = tpu.concatenate %broadcast_in_dim3A_42, %slice3A_43 in 1 : vector<4096x4xi32>, vector<4096x124xi32> -> vector<4096x128xi32>
      %add3A_45 = arith.addi %add3A_40, %concatenate3A_44 : vector<4096x128xi32>
      %broadcast_in_dim3A_46 = arith.constant 0 : i32
      %broadcast_in_dim3A_47 = vector.broadcast %broadcast_in_dim3A_46 : i32 to vector<4096x8xi32>
      %slice3A_48 = vector.extract_strided_slice %add3A_45 {offsets = [0, 0], sizes = [4096, 120], strides = [1, 1]} : vector<4096x128xi32> to vector<4096x120xi32>
      %concatenate3A_49 = tpu.concatenate %broadcast_in_dim3A_47, %slice3A_48 in 1 : vector<4096x8xi32>, vector<4096x120xi32> -> vector<4096x128xi32>
      %add3A_50 = arith.addi %add3A_45, %concatenate3A_49 : vector<4096x128xi32>
      %broadcast_in_dim3A_51 = arith.constant 0 : i32
      %broadcast_in_dim3A_52 = vector.broadcast %broadcast_in_dim3A_51 : i32 to vector<4096x16xi32>
      %slice3A_53 = vector.extract_strided_slice %add3A_50 {offsets = [0, 0], sizes = [4096, 112], strides = [1, 1]} : vector<4096x128xi32> to vector<4096x112xi32>
      %concatenate3A_54 = tpu.concatenate %broadcast_in_dim3A_52, %slice3A_53 in 1 : vector<4096x16xi32>, vector<4096x112xi32> -> vector<4096x128xi32>
      %add3A_55 = arith.addi %add3A_50, %concatenate3A_54 : vector<4096x128xi32>
      %broadcast_in_dim3A_56 = arith.constant 0 : i32
      %broadcast_in_dim3A_57 = vector.broadcast %broadcast_in_dim3A_56 : i32 to vector<4096x32xi32>
      %slice3A_58 = vector.extract_strided_slice %add3A_55 {offsets = [0, 0], sizes = [4096, 96], strides = [1, 1]} : vector<4096x128xi32> to vector<4096x96xi32>
      %concatenate3A_59 = tpu.concatenate %broadcast_in_dim3A_57, %slice3A_58 in 1 : vector<4096x32xi32>, vector<4096x96xi32> -> vector<4096x128xi32>
      %add3A_60 = arith.addi %add3A_55, %concatenate3A_59 : vector<4096x128xi32>
      %broadcast_in_dim3A_61 = arith.constant 0 : i32
      %broadcast_in_dim3A_62 = vector.broadcast %broadcast_in_dim3A_61 : i32 to vector<4096x64xi32>
      %slice3A_63 = vector.extract_strided_slice %add3A_60 {offsets = [0, 0], sizes = [4096, 64], strides = [1, 1]} : vector<4096x128xi32> to vector<4096x64xi32>
      %concatenate3A_64 = tpu.concatenate %broadcast_in_dim3A_62, %slice3A_63 in 1 : vector<4096x64xi32>, vector<4096x64xi32> -> vector<4096x128xi32>
      %add3A_65 = arith.addi %add3A_60, %concatenate3A_64 : vector<4096x128xi32>
      %sub3A = arith.subi %add3A_65, %convert_element_type3A_16 : vector<4096x128xi32>
      %reduce_sum3A_66 = arith.constant dense<0> : vector<4096xi32>
      %reduce_sum3A_67 = vector.multi_reduction <add>, %convert_element_type3A_16, %reduce_sum3A_66 [1] : vector<4096x128xi32> to vector<4096xi32>
      %broadcast_in_dim3A_68 = vector.shape_cast %reduce_sum3A_67 : vector<4096xi32> to vector<4096x1xi32>
      %broadcast_in_dim3A_69 = arith.constant 0 : i32
      %broadcast_in_dim3A_70 = vector.broadcast %broadcast_in_dim3A_69 : i32 to vector<1x1xi32>
      %slice3A_71 = vector.extract_strided_slice %broadcast_in_dim3A_68 {offsets = [0, 0], sizes = [4095, 1], strides = [1, 1]} : vector<4096x1xi32> to vector<4095x1xi32>
      %concatenate3A_72 = tpu.concatenate %broadcast_in_dim3A_70, %slice3A_71 in 0 : vector<1x1xi32>, vector<4095x1xi32> -> vector<4096x1xi32>
      %add3A_73 = arith.addi %broadcast_in_dim3A_68, %concatenate3A_72 : vector<4096x1xi32>
      %broadcast_in_dim3A_74 = arith.constant 0 : i32
      %broadcast_in_dim3A_75 = vector.broadcast %broadcast_in_dim3A_74 : i32 to vector<2x1xi32>
      %slice3A_76 = vector.extract_strided_slice %add3A_73 {offsets = [0, 0], sizes = [4094, 1], strides = [1, 1]} : vector<4096x1xi32> to vector<4094x1xi32>
      %concatenate3A_77 = tpu.concatenate %broadcast_in_dim3A_75, %slice3A_76 in 0 : vector<2x1xi32>, vector<4094x1xi32> -> vector<4096x1xi32>
      %add3A_78 = arith.addi %add3A_73, %concatenate3A_77 : vector<4096x1xi32>
      %broadcast_in_dim3A_79 = arith.constant 0 : i32
      %broadcast_in_dim3A_80 = vector.broadcast %broadcast_in_dim3A_79 : i32 to vector<4x1xi32>
      %slice3A_81 = vector.extract_strided_slice %add3A_78 {offsets = [0, 0], sizes = [4092, 1], strides = [1, 1]} : vector<4096x1xi32> to vector<4092x1xi32>
      %concatenate3A_82 = tpu.concatenate %broadcast_in_dim3A_80, %slice3A_81 in 0 : vector<4x1xi32>, vector<4092x1xi32> -> vector<4096x1xi32>
      %add3A_83 = arith.addi %add3A_78, %concatenate3A_82 : vector<4096x1xi32>
      %broadcast_in_dim3A_84 = arith.constant 0 : i32
      %broadcast_in_dim3A_85 = vector.broadcast %broadcast_in_dim3A_84 : i32 to vector<8x1xi32>
      %slice3A_86 = vector.extract_strided_slice %add3A_83 {offsets = [0, 0], sizes = [4088, 1], strides = [1, 1]} : vector<4096x1xi32> to vector<4088x1xi32>
      %concatenate3A_87 = tpu.concatenate %broadcast_in_dim3A_85, %slice3A_86 in 0 : vector<8x1xi32>, vector<4088x1xi32> -> vector<4096x1xi32>
      %add3A_88 = arith.addi %add3A_83, %concatenate3A_87 : vector<4096x1xi32>
      %broadcast_in_dim3A_89 = arith.constant 0 : i32
      %broadcast_in_dim3A_90 = vector.broadcast %broadcast_in_dim3A_89 : i32 to vector<16x1xi32>
      %slice3A_91 = vector.extract_strided_slice %add3A_88 {offsets = [0, 0], sizes = [4080, 1], strides = [1, 1]} : vector<4096x1xi32> to vector<4080x1xi32>
      %concatenate3A_92 = tpu.concatenate %broadcast_in_dim3A_90, %slice3A_91 in 0 : vector<16x1xi32>, vector<4080x1xi32> -> vector<4096x1xi32>
      %add3A_93 = arith.addi %add3A_88, %concatenate3A_92 : vector<4096x1xi32>
      %broadcast_in_dim3A_94 = arith.constant 0 : i32
      %broadcast_in_dim3A_95 = vector.broadcast %broadcast_in_dim3A_94 : i32 to vector<32x1xi32>
      %slice3A_96 = vector.extract_strided_slice %add3A_93 {offsets = [0, 0], sizes = [4064, 1], strides = [1, 1]} : vector<4096x1xi32> to vector<4064x1xi32>
      %concatenate3A_97 = tpu.concatenate %broadcast_in_dim3A_95, %slice3A_96 in 0 : vector<32x1xi32>, vector<4064x1xi32> -> vector<4096x1xi32>
      %add3A_98 = arith.addi %add3A_93, %concatenate3A_97 : vector<4096x1xi32>
      %broadcast_in_dim3A_99 = arith.constant 0 : i32
      %broadcast_in_dim3A_100 = vector.broadcast %broadcast_in_dim3A_99 : i32 to vector<64x1xi32>
      %slice3A_101 = vector.extract_strided_slice %add3A_98 {offsets = [0, 0], sizes = [4032, 1], strides = [1, 1]} : vector<4096x1xi32> to vector<4032x1xi32>
      %concatenate3A_102 = tpu.concatenate %broadcast_in_dim3A_100, %slice3A_101 in 0 : vector<64x1xi32>, vector<4032x1xi32> -> vector<4096x1xi32>
      %add3A_103 = arith.addi %add3A_98, %concatenate3A_102 : vector<4096x1xi32>
      %broadcast_in_dim3A_104 = arith.constant 0 : i32
      %broadcast_in_dim3A_105 = vector.broadcast %broadcast_in_dim3A_104 : i32 to vector<128x1xi32>
      %slice3A_106 = vector.extract_strided_slice %add3A_103 {offsets = [0, 0], sizes = [3968, 1], strides = [1, 1]} : vector<4096x1xi32> to vector<3968x1xi32>
      %concatenate3A_107 = tpu.concatenate %broadcast_in_dim3A_105, %slice3A_106 in 0 : vector<128x1xi32>, vector<3968x1xi32> -> vector<4096x1xi32>
      %add3A_108 = arith.addi %add3A_103, %concatenate3A_107 : vector<4096x1xi32>
      %broadcast_in_dim3A_109 = arith.constant 0 : i32
      %broadcast_in_dim3A_110 = vector.broadcast %broadcast_in_dim3A_109 : i32 to vector<256x1xi32>
      %slice3A_111 = vector.extract_strided_slice %add3A_108 {offsets = [0, 0], sizes = [3840, 1], strides = [1, 1]} : vector<4096x1xi32> to vector<3840x1xi32>
      %concatenate3A_112 = tpu.concatenate %broadcast_in_dim3A_110, %slice3A_111 in 0 : vector<256x1xi32>, vector<3840x1xi32> -> vector<4096x1xi32>
      %add3A_113 = arith.addi %add3A_108, %concatenate3A_112 : vector<4096x1xi32>
      %broadcast_in_dim3A_114 = arith.constant 0 : i32
      %broadcast_in_dim3A_115 = vector.broadcast %broadcast_in_dim3A_114 : i32 to vector<512x1xi32>
      %slice3A_116 = vector.extract_strided_slice %add3A_113 {offsets = [0, 0], sizes = [3584, 1], strides = [1, 1]} : vector<4096x1xi32> to vector<3584x1xi32>
      %concatenate3A_117 = tpu.concatenate %broadcast_in_dim3A_115, %slice3A_116 in 0 : vector<512x1xi32>, vector<3584x1xi32> -> vector<4096x1xi32>
      %add3A_118 = arith.addi %add3A_113, %concatenate3A_117 : vector<4096x1xi32>
      %broadcast_in_dim3A_119 = arith.constant 0 : i32
      %broadcast_in_dim3A_120 = vector.broadcast %broadcast_in_dim3A_119 : i32 to vector<1024x1xi32>
      %slice3A_121 = vector.extract_strided_slice %add3A_118 {offsets = [0, 0], sizes = [3072, 1], strides = [1, 1]} : vector<4096x1xi32> to vector<3072x1xi32>
      %concatenate3A_122 = tpu.concatenate %broadcast_in_dim3A_120, %slice3A_121 in 0 : vector<1024x1xi32>, vector<3072x1xi32> -> vector<4096x1xi32>
      %add3A_123 = arith.addi %add3A_118, %concatenate3A_122 : vector<4096x1xi32>
      %broadcast_in_dim3A_124 = arith.constant 0 : i32
      %broadcast_in_dim3A_125 = vector.broadcast %broadcast_in_dim3A_124 : i32 to vector<2048x1xi32>
      %slice3A_126 = vector.extract_strided_slice %add3A_123 {offsets = [0, 0], sizes = [2048, 1], strides = [1, 1]} : vector<4096x1xi32> to vector<2048x1xi32>
      %concatenate3A_127 = tpu.concatenate %broadcast_in_dim3A_125, %slice3A_126 in 0 : vector<2048x1xi32>, vector<2048x1xi32> -> vector<4096x1xi32>
      %add3A_128 = arith.addi %add3A_123, %concatenate3A_127 : vector<4096x1xi32>
      %sub3A_129 = arith.subi %add3A_128, %broadcast_in_dim3A_68 : vector<4096x1xi32>
      %add3A_130 = vector.broadcast %get3A_8 : i32 to vector<4096x1xi32>
      %add3A_131 = arith.addi %add3A_130, %sub3A_129 : vector<4096x1xi32>
      %add3A_132 = vector.broadcast %add3A_131 : vector<4096x1xi32> to vector<4096x128xi32>
      %add3A_133 = arith.addi %add3A_132, %sub3A : vector<4096x128xi32>
      %gt3A = vector.broadcast %get3A_2 : i32 to vector<4096x128xi32>
      %gt3A_134 = arith.cmpi sgt, %and3A_13, %gt3A : vector<4096x128xi32>
      %eq3A_135 = arith.constant 1 : i32
      %eq3A_136 = vector.broadcast %eq3A_135 : i32 to vector<4096x128xi32>
      %eq3A_137 = arith.cmpi eq, %convert_element_type3A_16, %eq3A_136 : vector<4096x128xi32>
      %lt3A = vector.broadcast %get3A_4 : i32 to vector<4096x128xi32>
      %lt3A_138 = arith.cmpi slt, %add3A_133, %lt3A : vector<4096x128xi32>
      %and3A_139 = arith.andi %eq3A_137, %lt3A_138 : vector<4096x128xi1>
      %or3A_140 = arith.ori %gt3A_134, %and3A_139 : vector<4096x128xi1>
      %jit3A = arith.constant 1.000000e+00 : f32
      %jit3A_141 = arith.constant 0.000000e+00 : f32
      %broadcast_in_dim3A_142 = vector.broadcast %jit3A : f32 to vector<4096x128xf32>
      %broadcast_in_dim3A_143 = vector.broadcast %jit3A_141 : f32 to vector<4096x128xf32>
      %select_n3A = arith.select %or3A_140, %broadcast_in_dim3A_142, %broadcast_in_dim3A_143 : vector<4096x128xi1>, vector<4096x128xf32>
      %swap3A_144 = arith.constant 0 : index
      %swap3A_145 = arith.constant 0 : index
      %swap3A_146 = vector.load %arg4[%swap3A_144, %swap3A_145] : memref<4096x128xf32, #tpu.memory_space<vmem>>, vector<4096x128xf32>
      tpu.vector_store %arg4[%swap3A_144, %swap3A_145], %select_n3A {strides = array<i32>} : memref<4096x128xf32, #tpu.memory_space<vmem>>, vector<4096x128xf32>,
    } else {
    }
    %add3A = arith.addi %get3A_8, %reduce_sum3A_20 : i32
    %swap3A = arith.constant 3 : index
    %swap3A_33 = memref.load %arg5[%swap3A] : memref<4xi32, #tpu.memory_space<smem>>
    memref.store %add3A, %arg5[%swap3A] : memref<4xi32, #tpu.memory_space<smem>>
    return
  }
  func.func @transform_0(%arg0: i32) -> (i32, i32) {
    %c0_i32 = arith.constant 0 : i32
    %c0_i32_0 = arith.constant 0 : i32
    %c0_i32_1 = arith.constant 0 : i32
    return %c0_i32, %c0_i32_0 : i32, i32
  }
  func.func @transform_1(%arg0: i32) -> (i32, i32) {
    %c0_i32 = arith.constant 0 : i32
    %c0_i32_0 = arith.constant 0 : i32
    %c0_i32_1 = arith.constant 0 : i32
    return %c0_i32, %c0_i32_0 : i32, i32
  }
  func.func @transform_2(%arg0: i32) -> (i32, i32) {
    %c0_i32 = arith.constant 0 : i32
    %c0_i32_0 = arith.constant 0 : i32
    return %arg0, %c0_i32 : i32, i32
  }
  func.func @transform_3(%arg0: i32) -> (i32, i32) {
    %c0_i32 = arith.constant 0 : i32
    %c0_i32_0 = arith.constant 0 : i32
    return %arg0, %c0_i32 : i32, i32
  }
}

</mosaic_0001>

<sc_bundles>
// kernel: kernel.6.cloned.1.call-start
scs
__scs_entry_jumppad:
0x0: {  	(pc) =	sbr.rel $0x88, $3  }
0x1: {  	(tag) =	ssettag $0x0;
	lr =	simm.s32 $0x1  }
0x2: {  	[smem:$0x3FA0] =	sst lr;
	_ =	strace $0xD0000000  }
0x3: {  	_ = 	snop  }
0x4: {  	_ = 	snop  }
0x5: {  	_ = 	snop  }
0x6: {  	_ = 	snop  }
0x7: {  	_ = 	snop  }
__scs_overlays_trampoline_lowered:
0x8: {  	[smem:$0x3FAF] =	sst s0  }
0x9: {  	[smem:$0x3FB0] =	sst s1  }
0xa: {  	[smem:$0x3FB1] =	sst s2  }
0xb: {  	[smem:$0x3FB2] =	sst s3  }
0xc: {  	[smem:$0x3FB3] =	sst s4  }
0xd: {  	[smem:$0x3FB4] =	sst s5  }
0xe: {  	[smem:$0x3FB5] =	sst s6  }
0xf: {  	[smem:$0x3FB6] =	sst s7  }
0x10: {  	[smem:$0x3FB7] =	sst s8  }
0x11: {  	[smem:$0x3FB8] =	sst s9;
	s0 =	simm.s32 @!p0 $0x0  }
0x12: {  	s1 =	sld [smem:$0x3F9E];
	s0 =	simm.s32 @p0 $0x1  }
0x13: {  	[smem:$0x3FB9] =	sst s0;
	s0 =	simm.s32 @!p1 $0x0  }
0x14: {  	s2 =	sld [smem:$0x3F9D];
	s0 =	simm.s32 @p1 $0x1  }
0x15: {  	[smem:$0x3FBA] =	sst s0;
	s0 =	simm.s32 @!p2 $0x0  }
0x16: {  	s3 =	sld [smem:$0x3FDB];
	s0 =	simm.s32 @p2 $0x1  }
0x17: {  	s4 =	simm.s32 $0x1BF5;
	[smem:$0x3FBC] =	sst s0  }
0x18: {  	s0 =	sld [smem:$0x3F9F];
	_ =	swait.ge [sflag:s4], $0x0  }
0x19: {  	s7 =	sld [smem:$0x3FA0]  }
0x1a: {  	s8 =	sadd.s32 $0xFFFFE003, lr  }
0x1b: {  	s9 =	sadd.s32 $0xFFFFFEF7, lr;
	s5 =	simm.s32 $0xFFFFFFFF;
	p2 =	slt.u32 s8, $0xFFFFF086  }
0x1c: {  	p1 =	slt.u32 s9, $0xF7A;
	s5 =	simm.s32 @!p2 $0x0  }
0x1d: {  	s5 =	simm.s32 @p1 $0x1;
	p0 =	seq.s32 s7, s2  }
0x1e: {  	s7 =	smul.u32 @!p0 $0xF7A, s2;
	p2 =	seq.s32 @!p0 s5, $0x0  }
0x1f: {  	s9 =	smul.u32 $0xF7A, s1;
	s8 =	simm.s32 @!p0 $0x1BF5;
	p2 =	por !p2, p0  }
0x20: {  	[sflag:s8] =	ssyncset.s32 @!p0 $0xFFFFF086;
	s6 =	sadd.s32 @!p0 s3, s7;
	s7 =	simm.s32 @!p0 $0x108  }
0x21: {  	s3 =	sadd.s32 s3, s9;
	s6 =	sadd.s32 @!p0 $0x88, s6;
	s7 =	simm.s32 @p2 $0x1082  }
0x22: {  	[simem:s7], [sflag:s8] =	dma.local @!p0 [hbm:s6], $0xF7A  }
0x23: {  	s9 =	sor.u32 $0xD0000000, s2;
	s6 =	simm.s32 $0x108;
	_ =	swait.ge @!p0 [sflag:s8], $0x0  }
0x24: {  	s3 =	sadd.s32 $0x88, s3;
	s6 =	simm.s32 @!p1 $0x1082;
	[sflag:s4] =	ssyncset.s32 $0xFFFFF086  }
0x25: {  	[simem:s6], [sflag:s4] =	dma.local [hbm:s3], $0xF7A  }
0x26: {  	[smem:$0x3FA0] =	sst s1;
	(tag) =	ssettag s2;
	_ =	strace s9  }
0x27: {  	s1 =	sld [smem:$0x3FB0]  }
0x28: {  	s2 =	sld [smem:$0x3FB1]  }
0x29: {  	s4 =	sld [smem:$0x3FB3]  }
0x2a: {  	p0 =	seq.s32 s5, $0x0;
	s5 =	sld [smem:$0x3FB4]  }
0x2b: {  	s6 =	sld [smem:$0x3FB5]  }
0x2c: {  	s7 =	sld [smem:$0x3FB6]  }
0x2d: {  	s3 =	simm.s32 $0x108;
	s8 =	sld [smem:$0x3FB7]  }
0x2e: {  	s3 =	simm.s32 @!p0 $0x1082;
	s9 =	sld [smem:$0x3FB8]  }
0x2f: {  	lr =	sadd.s32 s0, s3;
	s0 =	sld [smem:$0x3FAF]  }
0x30: {  	s3 =	sld [smem:$0x3FB2]  }
0x31: {  	[smem:$0x3FBB] =	sst s10  }
0x32: {  	s10 =	sld [smem:$0x3FB9];
	_ =	sdelay $0x3  }
0x33: {  	p0 =	seq.s32 s10, $0x1;
	s10 =	sld [smem:$0x3FBB];
	_ =	sdelay $0x3  }
0x34: {  	[smem:$0x3FBB] =	sst s10  }
0x35: {  	s10 =	sld [smem:$0x3FBA];
	_ =	sdelay $0x3  }
0x36: {  	p1 =	seq.s32 s10, $0x1;
	s10 =	sld [smem:$0x3FBB];
	_ =	sdelay $0x3  }
0x37: {  	[smem:$0x3FBB] =	sst s10  }
0x38: {  	s10 =	sld [smem:$0x3FBC]  }
0x39: {  	_ = 	snop;
	(pc) =	sbr.ind lr, $3  }
0x3a: {  	_ = 	snop  }
0x3b: {  	_ = 	snop  }
0x3c: {  	p2 =	seq.s32 s10, $0x1;
	s10 =	sld [smem:$0x3FBB]  }
0x3d: {  	_ =	shalt  }
0x3e: {  	_ =	shalt  }
0x3f: {  	_ =	shalt  }
0x40: {  	_ =	shalt  }
0x41: {  	_ =	shalt  }
0x42: {  	_ =	shalt  }
0x43: {  	_ =	shalt  }
0x44: {  	_ =	shalt  }
0x45: {  	_ =	shalt  }
0x46: {  	_ =	shalt  }
0x47: {  	_ =	shalt  }
0x48: {  	_ =	shalt  }
0x49: {  	_ =	shalt  }
0x4a: {  	_ =	shalt  }
0x4b: {  	_ =	shalt  }
0x4c: {  	_ =	shalt  }
0x4d: {  	_ =	shalt  }
0x4e: {  	_ =	shalt  }
0x4f: {  	_ =	shalt  }
0x50: {  	_ =	shalt  }
0x51: {  	_ =	shalt  }
0x52: {  	_ =	shalt  }
0x53: {  	_ =	shalt  }
0x54: {  	_ =	shalt  }
0x55: {  	_ =	shalt  }
0x56: {  	_ =	shalt  }
0x57: {  	_ =	shalt  }
0x58: {  	_ =	shalt  }
0x59: {  	_ =	shalt  }
0x5a: {  	_ =	shalt  }
0x5b: {  	_ =	shalt  }
0x5c: {  	_ =	shalt  }
0x5d: {  	_ =	shalt  }
0x5e: {  	_ =	shalt  }
0x5f: {  	_ =	shalt  }
0x60: {  	_ =	shalt  }
0x61: {  	_ =	shalt  }
0x62: {  	_ =	shalt  }
0x63: {  	_ =	shalt  }
0x64: {  	_ =	shalt  }
0x65: {  	_ =	shalt  }
0x66: {  	_ =	shalt  }
0x67: {  	_ =	shalt  }
0x68: {  	_ =	shalt  }
0x69: {  	_ =	shalt  }
0x6a: {  	_ =	shalt  }
0x6b: {  	_ =	shalt  }
0x6c: {  	_ =	shalt  }
0x6d: {  	_ =	shalt  }
0x6e: {  	_ =	shalt  }
0x6f: {  	_ =	shalt  }
0x70: {  	_ =	shalt  }
0x71: {  	_ =	shalt  }
0x72: {  	_ =	shalt  }
0x73: {  	_ =	shalt  }
0x74: {  	_ =	shalt  }
0x75: {  	_ =	shalt  }
0x76: {  	_ =	shalt  }
0x77: {  	_ =	shalt  }
0x78: {  	_ =	shalt  }
0x79: {  	_ =	shalt  }
0x7a: {  	_ =	shalt  }
0x7b: {  	_ =	shalt  }
0x7c: {  	_ =	shalt  }
0x7d: {  	_ =	shalt  }
0x7e: {  	_ =	shalt  }
0x7f: {  	_ =	shalt  }
0x80: {  	_ =	shalt  }
0x81: {  	_ =	shalt  }
0x82: {  	_ =	shalt  }
0x83: {  	_ =	shalt  }
0x84: {  	_ =	shalt  }
0x85: {  	_ =	shalt  }
0x86: {  	_ =	shalt  }
0x87: {  	_ =	shalt  }
.Lfunc_end0:
.L_simem_size_0:
called_computation_lowered:
.L_overlay_start_0:
0x88: {  	s2 =	sld [smem:$0x3FD9]  }
0x89: {  	s3 =	sld [smem:$0x3FFE];
	_ =	sdelay $0x1  }
0x8a: {  	s1 =	srdreg.scid  }
0x8b: {  	s0 =	sand.u32 $0x1, s1  }
0x8c: {  	s18 =	sshll.u32 s0, $0xA;
	s2 =	sadd.s32 s3, s2  }
0x8d: {  	s2 =	sadd.s32 s2, s18  }
0x8e: {  	[smem:$0x3FC7] =	sst s2  }
0x8f: {  	_ = 	snop  }
0x90: {  	s2 =	sld [smem:$0x3FC9]  }
0x91: {  	s19 =	sld [smem:$0x3FD0];
	(tm) =	ssettm $0x1  }
0x92: {  	s4 =	sld [smem:$0x3FFB];
	_ =	sdelay $0x3  }
0x93: {  	_ =	strace s4  }
0x94: {  	s4 =	sld [smem:$0x3FFC];
	_ =	sdelay $0x3  }
0x95: {  	_ =	strace s4  }
0x96: {  	s4 =	sld [smem:$0x3FFD];
	_ =	sdelay $0x3  }
0x97: {  	_ =	strace s4  }
0x98: {  	_ =	strace $0x8FFFFFFF  }
0x99: {  	s20 =	sld [smem:$0x3FDB];
	_ =	sdelay $0x1  }
0x9a: {  	s5 =	simm.s32 $_scs_section_size  }
0x9b: {  	s6 =	simm.s32 $_size__tile_overlayer_lowered;
	s7 =	simm.s32 $_tile_overlayer_lowered  }
0x9c: {  	s23 =	simm.s32 $0x1BFF;
	s22 =	sshll.u32 s7, $0x1;
	s4 =	sadd.s32 s5, s20  }
0x9d: {  	s8 =	simm.s32 $0x0;
	s21 =	sshll.u32 s6, $0x1;
	s6 =	sadd.s32 s22, s4  }
0x9e: {  	[timem:s8], [sflag:s23] =	dma.local [hbm:s6], s21  }
0x9f: {  	_ =	swait.ge [sflag:s23], s21  }
0xa0: {  	s5 =	ssub.s32 $0x0, s21;
	[sflag:s23] =	ssyncset.done $0x0  }
0xa1: {  	[sflag:s23] =	ssyncadd.s32 s5;
	_ =	sdelay $0x1  }
0xa2: {  	s24 =	simm.s32 $0x1B8B  }
0xa3: {  	_ =	swait.ge [sflag:s24], $0x1  }
0xa4: {  	[sflag:s24] =	ssyncset.done $0x0  }
0xa5: {  	s25 =	simm.s32 $0x1B8E;
	[sflag:s24] =	ssyncadd.s32 $0xFFFFFFFF  }
0xa6: {  	s26 =	simm.s32 $execute0_lowered;
	[smem:$0x3FD2] =	sst s25  }
0xa7: {  	s5 =	sshll.u32 s26, $0x1;
	_ =	strace $0x80000046;
	[dreg:$0x1] =	wrdreg $0xFFFFFFFF  }
0xa8: {  	s28 =	simm.s32 $_size_execute0_lowered;
	s4 =	sadd.s32 s4, s5;
	[dreg:$0x0] =	wrdreg $0x0  }
0xa9: {  	s5 =	sshll.u32 s28, $0x1;
	[dreg:$0x2] =	wrdreg s4  }
0xaa: {  	[dreg:$0x3] =	wrdreg s5  }
0xab: {  	[dreg:$0x4] =	wrdreg $0xC0  }
0xac: {  	_ =	task [dreg:s8], $0x5FFFF  }
0xad: {  	[dreg:$0x1] =	wrdreg $0xFFFFFFFF  }
0xae: {  	[dreg:$0x0] =	wrdreg $0x60  }
0xaf: {  	[dreg:$0x2] =	wrdreg s2  }
0xb0: {  	[dreg:$0x3] =	wrdreg s19  }
0xb1: {  	[dreg:$0x4] =	wrdreg $0x9  }
0xb2: {  	_ =	task.clear_ibuf [dreg:s8], $0x5FFFF;
	_ =	strace $0x90000046  }
0xb3: {  	s29 =	simm.s32 $0x9;
	_ =	strace $0x80000048  }
0xb4: {  	_ =	swait.ge [sflag:s29], $0x1  }
0xb5: {  	[sflag:s29] =	ssyncadd.s32 $0xFFFFFFFF  }
0xb6: {  	_ =	strace $0x90000048  }
0xb7: {  	_ =	sfence  }
0xb8: {  	s30 =	sld [smem:$0x0];
	_ =	sdelay $0x2  }
0xb9: {  	s31 =	sshll.u32 s1, $0xD;
	s1 =	sshrl.u32 s1, $0x2  }
0xba: {  	s3 =	sand.u32 $0x4000, s31;
	s1 =	sadd.s32 s1, s30  }
0xbb: {  	s0 =	sor.u32 s3, s0;
	s1 =	sshll.u32 s1, $0x11  }
0xbc: {  	s0 =	sor.u32 s1, s0  }
0xbd: {  	s0 =	sadd.s32 $0x8F2B, s0  }
0xbe: {  	[sflag:s0] =	ssyncadd.remote.s32 $0x1  }
0xbf: {  	_ =	sfence.sel $0xFFFF  }
0xc0: {  	[dreg:$0x0] =	wrdreg $0xFFFFFFFF;
	(pc) =	sbr.abs _section_cstart, $3  }
0xc1: {  	[dreg:$0x1] =	wrdreg $0xFFFFFFFF  }
0xc2: {  	_ =	task.clear_ibuf [dreg:s8], $0x2FFFF;
	_ =	strace $0x9FFFFFFF  }
0xc3: {  	(tm) =	ssettm $0x7FFFFFFF  }
tec
execute0_lowered:
.L_overlay_start_1:
0x0: {  	(tag) =	ssettag $0x1  }
0x1: {  	s2 =	rddreg [dreg:$0x0]  }
0x2: {  	s8 =	rddreg [dreg:$0x1]  }
0x3: {  	s0 =	rddreg [dreg:$0x2]  }
0x4: {  	s4 =	srdreg.scid;
	s1 =	stileid.u32;
	s3 =	simm.s32 $0x0  }
0x5: {  	s12 =	simm.s32 $0x1;
	s13 =	simm.s32 $0x2;
	s14 =	simm.s32 $0x3  }
0x6: {  	s15 =	simm.s32 $0x0;
	s4 =	sand.u32 $0x1, s4;
	s5 =	sshll.u32 s1, $0x1  }
0x7: {  	[smem:$0x7FF] =	sst s3;
	s6 =	ssub.s32 $0x2, s4;
	s7 =	sor.u32 s4, s5  }
.Ltmp0:
0x8: {  	_ =	strace $0x80000047;
	s31 =	sshrl.u32 s6, $0x1;
	(pc) =	sbr.rel .LBB2_1-.Ltmp0, $4  }
0x9: {  	s5 =	sshll.u32 s7, $0x10;
	s10 =	sshll.u32 s7, $0x13;
	s11 =	sshll.u32 s7, $0xD  }
0xa: {  	s9 =	ssub.s32 s6, s31;
	s4 =	sadd.s32 s2, s5;
	s6 =	sor.u32 $0x8000, s10  }
0xb: {  	s7 =	sor.u32 $0xC000, s10;
	s8 =	sadd.s32 s8, s11;
	s10 =	simm.s32 $0x10000  }
0xc: {  	v0 =	vimm.s32 $0x0;
	v1 =	vimm.s32 $0x1;
	s11 =	simm.s32 $0x14000;
	s5 =	sadd.s32 $0x800, s4;
	s9 =	smax.u32 s9, $0x1  }
.LBB2_10:
0xd: {  	s15 =	sadd.s32 $0x1, s15  }
0xe: {  	p0 =	sne.s32 s15, s9  }
.Ltmp1:
0xf: {  	_ = 	snop;
	(pc) =	sbr.rel @!p0 .LBB2_11-.Ltmp1, $4  }
0x10: {  	[hbm4b:s8+s3] =	stream.linear.scatter [tilespmem:s3], [sflag:$0x3], $0x10000, $0x38;
	[tilespmem:$0x18000] =	vst v63  }
0x11: {  	_ =	swait.ge [sflag:s14], $0x10000  }
0x12: {  	[sflag:s14] =	ssyncset.done $0x0  }
0x13: {  	[sflag:s14] =	ssyncadd.s32 $0xFFFF0000  }
.LBB2_1:
0x14: {  	s16 =	simm.s32 $0x100  }
0x15: {  	[tilespmem:s16+$0xFFFFFF00] =	vst v0  }
0x16: {  	[tilespmem:s16+$0xF0] =	vst v0  }
0x17: {  	[tilespmem:s16+$0xE0] =	vst v0  }
0x18: {  	[tilespmem:s16+$0xD0] =	vst v0  }
0x19: {  	[tilespmem:s16+$0xC0] =	vst v0  }
0x1a: {  	[tilespmem:s16+$0xB0] =	vst v0  }
0x1b: {  	[tilespmem:s16+$0xA0] =	vst v0  }
0x1c: {  	[tilespmem:s16+$0x90] =	vst v0  }
0x1d: {  	[tilespmem:s16+$0x80] =	vst v0  }
0x1e: {  	[tilespmem:s16+$0x70] =	vst v0  }
0x1f: {  	[tilespmem:s16+$0x60] =	vst v0  }
0x20: {  	[tilespmem:s16+$0x50] =	vst v0  }
0x21: {  	[tilespmem:s16+$0x40] =	vst v0  }
0x22: {  	[tilespmem:s16+$0x30] =	vst v0  }
0x23: {  	[tilespmem:s16+$0x20] =	vst v0  }
0x24: {  	[tilespmem:s16+$0x10] =	vst v0  }
0x25: {  	[tilespmem:s16+$0x0] =	vst v0  }
0x26: {  	[tilespmem:s16+$0xFFFFFFF0] =	vst v0  }
0x27: {  	[tilespmem:s16+$0xFFFFFFE0] =	vst v0  }
0x28: {  	[tilespmem:s16+$0xFFFFFFD0] =	vst v0  }
0x29: {  	[tilespmem:s16+$0xFFFFFFC0] =	vst v0  }
0x2a: {  	[tilespmem:s16+$0xFFFFFFB0] =	vst v0  }
0x2b: {  	[tilespmem:s16+$0xFFFFFFA0] =	vst v0  }
0x2c: {  	[tilespmem:s16+$0xFFFFFF90] =	vst v0  }
0x2d: {  	[tilespmem:s16+$0xFFFFFF80] =	vst v0  }
0x2e: {  	[tilespmem:s16+$0xFFFFFF70] =	vst v0  }
0x2f: {  	[tilespmem:s16+$0xFFFFFF60] =	vst v0  }
0x30: {  	[tilespmem:s16+$0xFFFFFF50] =	vst v0  }
0x31: {  	[tilespmem:s16+$0xFFFFFF40] =	vst v0  }
0x32: {  	[tilespmem:s16+$0xFFFFFF30] =	vst v0  }
0x33: {  	s17 =	simm.s32 $0x0;
	[tilespmem:s16+$0xFFFFFF20] =	vst v0  }
.LBB2_2:
0x34: {  	s17 =	sadd.s32 $0x4, s17;
	[tilespmem:s16+$0xFFFFFF10] =	vst v0;
	s16 =	sadd.s32 $0x200, s16  }
0x35: {  	[tilespmem:s16+$0xFFFFFF00] =	vst v0;
	p0 =	slt.u32 s17, $0x1FC  }
0x36: {  	[tilespmem:s16+$0xF0] =	vst v0  }
0x37: {  	[tilespmem:s16+$0xE0] =	vst v0  }
0x38: {  	[tilespmem:s16+$0xD0] =	vst v0  }
0x39: {  	[tilespmem:s16+$0xC0] =	vst v0  }
0x3a: {  	[tilespmem:s16+$0xB0] =	vst v0  }
0x3b: {  	[tilespmem:s16+$0xA0] =	vst v0  }
0x3c: {  	[tilespmem:s16+$0x90] =	vst v0  }
0x3d: {  	[tilespmem:s16+$0x80] =	vst v0  }
0x3e: {  	[tilespmem:s16+$0x70] =	vst v0  }
0x3f: {  	[tilespmem:s16+$0x60] =	vst v0  }
0x40: {  	[tilespmem:s16+$0x50] =	vst v0  }
0x41: {  	[tilespmem:s16+$0x40] =	vst v0  }
0x42: {  	[tilespmem:s16+$0x30] =	vst v0  }
0x43: {  	[tilespmem:s16+$0x20] =	vst v0  }
0x44: {  	[tilespmem:s16+$0x10] =	vst v0  }
0x45: {  	[tilespmem:s16+$0x0] =	vst v0  }
0x46: {  	[tilespmem:s16+$0xFFFFFFF0] =	vst v0  }
0x47: {  	[tilespmem:s16+$0xFFFFFFE0] =	vst v0  }
0x48: {  	[tilespmem:s16+$0xFFFFFFD0] =	vst v0  }
0x49: {  	[tilespmem:s16+$0xFFFFFFC0] =	vst v0  }
0x4a: {  	[tilespmem:s16+$0xFFFFFFB0] =	vst v0  }
0x4b: {  	[tilespmem:s16+$0xFFFFFFA0] =	vst v0  }
0x4c: {  	[tilespmem:s16+$0xFFFFFF90] =	vst v0  }
0x4d: {  	[tilespmem:s16+$0xFFFFFF80] =	vst v0  }
0x4e: {  	[tilespmem:s16+$0xFFFFFF70] =	vst v0  }
.Ltmp2:
0x4f: {  	[tilespmem:s16+$0xFFFFFF60] =	vst v0;
	(pc) =	sbr.rel @p0 .LBB2_2-.Ltmp2, $4  }
0x50: {  	[tilespmem:s16+$0xFFFFFF50] =	vst v0  }
0x51: {  	[tilespmem:s16+$0xFFFFFF40] =	vst v0  }
0x52: {  	[tilespmem:s16+$0xFFFFFF30] =	vst v0  }
0x53: {  	[tilespmem:s16+$0xFFFFFF20] =	vst v0  }
0x54: {  	[tilespmem:s16+$0xFFFFFF10] =	vst v0;
	s16 =	simm.s32 $0x0  }
0x55: {  	[tilespmem:s10], [sflag:$0x1] =	stream.linear.gather [hbm4b:s4+s16], $0x4000, $0x38;
	[tilespmem:$0x18000] =	vst v63  }
0x56: {  	_ = 	snop  }
0x57: {  	[tilespmem:s11], [sflag:$0x2] =	stream.linear.gather [hbm4b:s5+s16], $0x4000, $0x38;
	[tilespmem:$0x18000] =	vst v63  }
.LBB2_4:
0x58: {  	_ =	swait.ge [sflag:s12], $0x4000  }
0x59: {  	[sflag:s12] =	ssyncset.done $0x0  }
0x5a: {  	s17 =	simm.s32 $0x10080;
	[sflag:s12] =	ssyncadd.s32 $0xFFFFC000  }
0x5b: {  	v2 =	vld [tilespmem:s17+$0xFFFFFFA0]  }
0x5c: {  	v3 =	vld [tilespmem:s17+$0xFFFFFFB0]  }
0x5d: {  	v4 =	vld [tilespmem:s17+$0xFFFFFFC0]  }
0x5e: {  	v5 =	vld [tilespmem:s17+$0xFFFFFFD0]  }
0x5f: {  	v6 =	vld [tilespmem:s17+$0xFFFFFF80]  }
0x60: {  	v7 =	vld [tilespmem:s17+$0x70]  }
0x61: {  	v8 =	vld [tilespmem:s17+$0x60]  }
0x62: {  	v9 =	vld [tilespmem:s17+$0x50]  }
0x63: {  	v10 =	vld [tilespmem:s17+$0x40]  }
0x64: {  	v11 =	vld [tilespmem:s17+$0x30]  }
0x65: {  	v12 =	vld [tilespmem:s17+$0x20];
	v6 =	vshrl.u32 v6, $0xF  }
0x66: {  	v13 =	vld [tilespmem:s17+$0x10];
	v7 =	vshrl.u32 v7, $0xF;
	v6 =	vand.u32 $0xFFFF, v6  }
0x67: {  	v16 =	vld [tilespmem:s17+$0xFFFFFFE0];
	v8 =	vshrl.u32 v8, $0xF;
	v7 =	vand.u32 $0xFFFF, v7  }
0x68: {  	v14 =	vld [tilespmem:s17+$0x0];
	v9 =	vshrl.u32 v9, $0xF;
	v8 =	vand.u32 $0xFFFF, v8  }
0x69: {  	v15 =	vld [tilespmem:s17+$0xFFFFFFF0];
	v11 =	vshrl.u32 v11, $0xF;
	v9 =	vand.u32 $0xFFFF, v9  }
0x6a: {  	v60 =	vld [tilespmem:s17+$0xFFFFFF90];
	v10 =	vshrl.u32 v10, $0xF;
	v56 =	vand.u32 $0xFFFF, v11  }
0x6b: {  	v57 =	vshrl.u32 v13, $0xF;
	v10 =	vand.u32 $0xFFFF, v10;
	[tilespmem:v6+s3+$0x0] =	vst.idx.add.s32.msk $0xffff, v1  }
0x6c: {  	v61 =	vshrl.u32 v16, $0xF;
	v11 =	vand.u32 $0xFFFF, v57;
	[tilespmem:v7+s3+$0x0] =	vst.idx.add.s32.msk $0xffff, v1  }
0x6d: {  	v59 =	vshrl.u32 v12, $0xF;
	v5 =	vshrl.u32 v5, $0xF;
	v12 =	vand.u32 $0xFFFF, v61;
	[tilespmem:v8+s3+$0x0] =	vst.idx.add.s32.msk $0xffff, v1  }
0x6e: {  	v3 =	vshrl.u32 v3, $0xF;
	v5 =	vand.u32 $0xFFFF, v5;
	[tilespmem:v9+s3+$0x0] =	vst.idx.add.s32.msk $0xffff, v1  }
0x6f: {  	v2 =	vshrl.u32 v2, $0xF;
	v3 =	vand.u32 $0xFFFF, v3;
	[tilespmem:v56+s3+$0x0] =	vst.idx.add.s32.msk $0xffff, v1  }
0x70: {  	v58 =	vshrl.u32 v14, $0xF;
	v63 =	vand.u32 $0xFFFF, v2;
	[tilespmem:v10+s3+$0x0] =	vst.idx.add.s32.msk $0xffff, v1  }
0x71: {  	v7 =	vand.u32 $0xFFFF, v58;
	[tilespmem:v11+s3+$0x0] =	vst.idx.add.s32.msk $0xffff, v1  }
0x72: {  	v62 =	vshrl.u32 v15, $0xF;
	v8 =	vand.u32 $0xFFFF, v59;
	[tilespmem:v12+s3+$0x0] =	vst.idx.add.s32.msk $0xffff, v1  }
0x73: {  	v2 =	vshrl.u32 v4, $0xF;
	v4 =	vshrl.u32 v60, $0xF;
	v6 =	vand.u32 $0xFFFF, v62;
	[tilespmem:v5+s3+$0x0] =	vst.idx.add.s32.msk $0xffff, v1  }
0x74: {  	[tilespmem:v3+s3+$0x0] =	vst.idx.add.s32.msk $0xffff, v1;
	v3 =	vand.u32 $0xFFFF, v4  }
0x75: {  	v2 =	vand.u32 $0xFFFF, v2;
	[tilespmem:v63+s3+$0x0] =	vst.idx.add.s32.msk $0xffff, v1  }
0x76: {  	[tilespmem:v7+s3+$0x0] =	vst.idx.add.s32.msk $0xffff, v1  }
0x77: {  	[tilespmem:v8+s3+$0x0] =	vst.idx.add.s32.msk $0xffff, v1  }
0x78: {  	s18 =	simm.s32 $0x0;
	[tilespmem:v6+s3+$0x0] =	vst.idx.add.s32.msk $0xffff, v1  }
.LBB2_5:
0x79: {  	s18 =	sadd.s32 $0x10, s18;
	[tilespmem:v3+s3+$0x0] =	vst.idx.add.s32.msk $0xffff, v1;
	s17 =	sadd.s32 $0x100, s17  }
0x7a: {  	p0 =	slt.u32 s18, $0x3F0;
	[tilespmem:v2+s3+$0x0] =	vst.idx.add.s32.msk $0xffff, v1  }
0x7b: {  	v3 =	vld [tilespmem:s17+$0xFFFFFFA0]  }
0x7c: {  	v2 =	vld [tilespmem:s17+$0xFFFFFFB0]  }
0x7d: {  	v4 =	vld [tilespmem:s17+$0xFFFFFFC0]  }
0x7e: {  	v5 =	vld [tilespmem:s17+$0xFFFFFFD0]  }
0x7f: {  	v6 =	vld [tilespmem:s17+$0xFFFFFF80]  }
0x80: {  	v7 =	vld [tilespmem:s17+$0x70]  }
0x81: {  	v8 =	vld [tilespmem:s17+$0x60]  }
0x82: {  	v9 =	vld [tilespmem:s17+$0x50]  }
0x83: {  	v10 =	vld [tilespmem:s17+$0x40]  }
0x84: {  	v6 =	vshrl.u32 v6, $0xF;
	v11 =	vld [tilespmem:s17+$0x30]  }
0x85: {  	v6 =	vand.u32 $0xFFFF, v6;
	v12 =	vld [tilespmem:s17+$0x20];
	v7 =	vshrl.u32 v7, $0xF  }
0x86: {  	v13 =	vld [tilespmem:s17+$0x10];
	v8 =	vshrl.u32 v8, $0xF;
	v7 =	vand.u32 $0xFFFF, v7  }
0x87: {  	v14 =	vld [tilespmem:s17+$0x0];
	v9 =	vshrl.u32 v9, $0xF;
	v8 =	vand.u32 $0xFFFF, v8  }
0x88: {  	v15 =	vld [tilespmem:s17+$0xFFFFFFF0];
	v10 =	vshrl.u32 v10, $0xF;
	v9 =	vand.u32 $0xFFFF, v9  }
0x89: {  	v16 =	vld [tilespmem:s17+$0xFFFFFFE0];
	v11 =	vshrl.u32 v11, $0xF  }
0x8a: {  	[tilespmem:v6+s3+$0x0] =	vst.idx.add.s32.msk $0xffff, v1;
	v6 =	vshrl.u32 v12, $0xF;
	v11 =	vand.u32 $0xFFFF, v11  }
0x8b: {  	v10 =	vand.u32 $0xFFFF, v10;
	v12 =	vshrl.u32 v13, $0xF;
	v6 =	vand.u32 $0xFFFF, v6;
	[tilespmem:v7+s3+$0x0] =	vst.idx.add.s32.msk $0xffff, v1  }
0x8c: {  	v7 =	vshrl.u32 v14, $0xF;
	v12 =	vand.u32 $0xFFFF, v12;
	[tilespmem:v8+s3+$0x0] =	vst.idx.add.s32.msk $0xffff, v1  }
0x8d: {  	v8 =	vshrl.u32 v15, $0xF;
	v7 =	vand.u32 $0xFFFF, v7;
	[tilespmem:v9+s3+$0x0] =	vst.idx.add.s32.msk $0xffff, v1  }
0x8e: {  	v9 =	vld [tilespmem:s17+$0xFFFFFF90];
	v13 =	vshrl.u32 v16, $0xF;
	v8 =	vand.u32 $0xFFFF, v8  }
0x8f: {  	v5 =	vshrl.u32 v5, $0xF;
	v13 =	vand.u32 $0xFFFF, v13;
	[tilespmem:v11+s3+$0x0] =	vst.idx.add.s32.msk $0xffff, v1  }
0x90: {  	v4 =	vshrl.u32 v4, $0xF;
	v5 =	vand.u32 $0xFFFF, v5;
	[tilespmem:v10+s3+$0x0] =	vst.idx.add.s32.msk $0xffff, v1  }
0x91: {  	v10 =	vshrl.u32 v2, $0xF;
	v2 =	vand.u32 $0xFFFF, v4;
	[tilespmem:v12+s3+$0x0] =	vst.idx.add.s32.msk $0xffff, v1  }
0x92: {  	v3 =	vshrl.u32 v3, $0xF;
	v4 =	vand.u32 $0xFFFF, v10;
	[tilespmem:v7+s3+$0x0] =	vst.idx.add.s32.msk $0xffff, v1  }
0x93: {  	v7 =	vshrl.u32 v9, $0xF;
	v9 =	vand.u32 $0xFFFF, v3;
	[tilespmem:v6+s3+$0x0] =	vst.idx.add.s32.msk $0xffff, v1  }
.Ltmp3:
0x94: {  	v3 =	vand.u32 $0xFFFF, v7;
	[tilespmem:v13+s3+$0x0] =	vst.idx.add.s32.msk $0xffff, v1;
	(pc) =	sbr.rel @p0 .LBB2_5-.Ltmp3, $4  }
0x95: {  	[tilespmem:v5+s3+$0x0] =	vst.idx.add.s32.msk $0xffff, v1  }
0x96: {  	[tilespmem:v8+s3+$0x0] =	vst.idx.add.s32.msk $0xffff, v1  }
0x97: {  	[tilespmem:v4+s3+$0x0] =	vst.idx.add.s32.msk $0xffff, v1  }
0x98: {  	[tilespmem:v9+s3+$0x0] =	vst.idx.add.s32.msk $0xffff, v1  }
0x99: {  	_ =	sdelay $0x1  }
0x9a: {  	s17 =	sshll.u32 s16, $0xF;
	p0 =	seq.s32 s16, $0xF  }
0x9b: {  	s18 =	sadd.s32 @!p0 s17, s6  }
0x9c: {  	[tilespmem:v3+s3+$0x0] =	vst.idx.add.s32.msk $0xffff, v1;
	s18 =	sshrl.u32 @!p0 s18, $0x3  }
0x9d: {  	[tilespmem:v2+s3+$0x0] =	vst.idx.add.s32.msk $0xffff, v1;
	s19 =	simm.s32 @!p0 $0x0;
	s20 =	simm.s32 @!p0 $0x10000;
	s18 =	sadd.s32 @!p0 s2, s18  }
0x9e: {  	[tilespmem:s20], [sflag:$0x1] =	stream.linear.gather @!p0 [hbm4b:s18+s19], $0x4000, $0x38;
	[tilespmem:$0x18000] =	vst v63  }
0x9f: {  	_ =	swait.ge [sflag:s13], $0x4000  }
0xa0: {  	[sflag:s13] =	ssyncset.done $0x0  }
0xa1: {  	s18 =	simm.s32 $0x14080;
	[sflag:s13] =	ssyncadd.s32 $0xFFFFC000  }
0xa2: {  	v2 =	vld [tilespmem:s18+$0xFFFFFFA0]  }
0xa3: {  	v3 =	vld [tilespmem:s18+$0xFFFFFFB0]  }
0xa4: {  	v4 =	vld [tilespmem:s18+$0xFFFFFFC0]  }
0xa5: {  	v5 =	vld [tilespmem:s18+$0xFFFFFFD0]  }
0xa6: {  	v6 =	vld [tilespmem:s18+$0xFFFFFF80]  }
0xa7: {  	v7 =	vld [tilespmem:s18+$0x70]  }
0xa8: {  	v8 =	vld [tilespmem:s18+$0x60]  }
0xa9: {  	v9 =	vld [tilespmem:s18+$0x50]  }
0xaa: {  	v10 =	vld [tilespmem:s18+$0x40]  }
0xab: {  	v11 =	vld [tilespmem:s18+$0x30]  }
0xac: {  	v12 =	vld [tilespmem:s18+$0x20];
	v6 =	vshrl.u32 v6, $0xF  }
0xad: {  	v13 =	vld [tilespmem:s18+$0x10];
	v7 =	vshrl.u32 v7, $0xF;
	v6 =	vand.u32 $0xFFFF, v6  }
0xae: {  	v16 =	vld [tilespmem:s18+$0xFFFFFFE0];
	v8 =	vshrl.u32 v8, $0xF;
	v7 =	vand.u32 $0xFFFF, v7  }
0xaf: {  	v14 =	vld [tilespmem:s18+$0x0];
	v9 =	vshrl.u32 v9, $0xF;
	v8 =	vand.u32 $0xFFFF, v8  }
0xb0: {  	v15 =	vld [tilespmem:s18+$0xFFFFFFF0];
	v11 =	vshrl.u32 v11, $0xF;
	v9 =	vand.u32 $0xFFFF, v9  }
0xb1: {  	v60 =	vld [tilespmem:s18+$0xFFFFFF90];
	v10 =	vshrl.u32 v10, $0xF;
	v56 =	vand.u32 $0xFFFF, v11  }
0xb2: {  	v57 =	vshrl.u32 v13, $0xF;
	v10 =	vand.u32 $0xFFFF, v10;
	[tilespmem:v6+s3+$0x0] =	vst.idx.add.s32.msk $0xffff, v1  }
0xb3: {  	v61 =	vshrl.u32 v16, $0xF;
	v11 =	vand.u32 $0xFFFF, v57;
	[tilespmem:v7+s3+$0x0] =	vst.idx.add.s32.msk $0xffff, v1  }
0xb4: {  	v59 =	vshrl.u32 v12, $0xF;
	v5 =	vshrl.u32 v5, $0xF;
	v12 =	vand.u32 $0xFFFF, v61;
	[tilespmem:v8+s3+$0x0] =	vst.idx.add.s32.msk $0xffff, v1  }
0xb5: {  	v3 =	vshrl.u32 v3, $0xF;
	v5 =	vand.u32 $0xFFFF, v5;
	[tilespmem:v9+s3+$0x0] =	vst.idx.add.s32.msk $0xffff, v1  }
0xb6: {  	v2 =	vshrl.u32 v2, $0xF;
	v3 =	vand.u32 $0xFFFF, v3;
	[tilespmem:v56+s3+$0x0] =	vst.idx.add.s32.msk $0xffff, v1  }
0xb7: {  	v58 =	vshrl.u32 v14, $0xF;
	v63 =	vand.u32 $0xFFFF, v2;
	[tilespmem:v10+s3+$0x0] =	vst.idx.add.s32.msk $0xffff, v1  }
0xb8: {  	v7 =	vand.u32 $0xFFFF, v58;
	[tilespmem:v11+s3+$0x0] =	vst.idx.add.s32.msk $0xffff, v1  }
0xb9: {  	v62 =	vshrl.u32 v15, $0xF;
	v8 =	vand.u32 $0xFFFF, v59;
	[tilespmem:v12+s3+$0x0] =	vst.idx.add.s32.msk $0xffff, v1  }
0xba: {  	v2 =	vshrl.u32 v4, $0xF;
	v4 =	vshrl.u32 v60, $0xF;
	v6 =	vand.u32 $0xFFFF, v62;
	[tilespmem:v5+s3+$0x0] =	vst.idx.add.s32.msk $0xffff, v1  }
0xbb: {  	[tilespmem:v3+s3+$0x0] =	vst.idx.add.s32.msk $0xffff, v1;
	v3 =	vand.u32 $0xFFFF, v4  }
0xbc: {  	v2 =	vand.u32 $0xFFFF, v2;
	[tilespmem:v63+s3+$0x0] =	vst.idx.add.s32.msk $0xffff, v1  }
0xbd: {  	[tilespmem:v7+s3+$0x0] =	vst.idx.add.s32.msk $0xffff, v1  }
0xbe: {  	[tilespmem:v8+s3+$0x0] =	vst.idx.add.s32.msk $0xffff, v1  }
0xbf: {  	s19 =	simm.s32 $0x0;
	[tilespmem:v6+s3+$0x0] =	vst.idx.add.s32.msk $0xffff, v1  }
.LBB2_7:
0xc0: {  	s19 =	sadd.s32 $0x10, s19;
	[tilespmem:v3+s3+$0x0] =	vst.idx.add.s32.msk $0xffff, v1;
	s18 =	sadd.s32 $0x100, s18  }
0xc1: {  	p1 =	slt.u32 s19, $0x3F0;
	[tilespmem:v2+s3+$0x0] =	vst.idx.add.s32.msk $0xffff, v1  }
0xc2: {  	v3 =	vld [tilespmem:s18+$0xFFFFFFA0]  }
0xc3: {  	v2 =	vld [tilespmem:s18+$0xFFFFFFB0]  }
0xc4: {  	v4 =	vld [tilespmem:s18+$0xFFFFFFC0]  }
0xc5: {  	v5 =	vld [tilespmem:s18+$0xFFFFFFD0]  }
0xc6: {  	v6 =	vld [tilespmem:s18+$0xFFFFFF80]  }
0xc7: {  	v7 =	vld [tilespmem:s18+$0x70]  }
0xc8: {  	v8 =	vld [tilespmem:s18+$0x60]  }
0xc9: {  	v9 =	vld [tilespmem:s18+$0x50]  }
0xca: {  	v10 =	vld [tilespmem:s18+$0x40]  }
0xcb: {  	v6 =	vshrl.u32 v6, $0xF;
	v11 =	vld [tilespmem:s18+$0x30]  }
0xcc: {  	v6 =	vand.u32 $0xFFFF, v6;
	v12 =	vld [tilespmem:s18+$0x20];
	v7 =	vshrl.u32 v7, $0xF  }
0xcd: {  	v13 =	vld [tilespmem:s18+$0x10];
	v8 =	vshrl.u32 v8, $0xF;
	v7 =	vand.u32 $0xFFFF, v7  }
0xce: {  	v14 =	vld [tilespmem:s18+$0x0];
	v9 =	vshrl.u32 v9, $0xF;
	v8 =	vand.u32 $0xFFFF, v8  }
0xcf: {  	v15 =	vld [tilespmem:s18+$0xFFFFFFF0];
	v10 =	vshrl.u32 v10, $0xF;
	v9 =	vand.u32 $0xFFFF, v9  }
0xd0: {  	v16 =	vld [tilespmem:s18+$0xFFFFFFE0];
	v11 =	vshrl.u32 v11, $0xF  }
0xd1: {  	[tilespmem:v6+s3+$0x0] =	vst.idx.add.s32.msk $0xffff, v1;
	v6 =	vshrl.u32 v12, $0xF;
	v11 =	vand.u32 $0xFFFF, v11  }
0xd2: {  	v10 =	vand.u32 $0xFFFF, v10;
	v12 =	vshrl.u32 v13, $0xF;
	v6 =	vand.u32 $0xFFFF, v6;
	[tilespmem:v7+s3+$0x0] =	vst.idx.add.s32.msk $0xffff, v1  }
0xd3: {  	v7 =	vshrl.u32 v14, $0xF;
	v12 =	vand.u32 $0xFFFF, v12;
	[tilespmem:v8+s3+$0x0] =	vst.idx.add.s32.msk $0xffff, v1  }
0xd4: {  	v8 =	vshrl.u32 v15, $0xF;
	v7 =	vand.u32 $0xFFFF, v7;
	[tilespmem:v9+s3+$0x0] =	vst.idx.add.s32.msk $0xffff, v1  }
0xd5: {  	v9 =	vld [tilespmem:s18+$0xFFFFFF90];
	v13 =	vshrl.u32 v16, $0xF;
	v8 =	vand.u32 $0xFFFF, v8  }
0xd6: {  	v5 =	vshrl.u32 v5, $0xF;
	v13 =	vand.u32 $0xFFFF, v13;
	[tilespmem:v11+s3+$0x0] =	vst.idx.add.s32.msk $0xffff, v1  }
0xd7: {  	v4 =	vshrl.u32 v4, $0xF;
	v5 =	vand.u32 $0xFFFF, v5;
	[tilespmem:v10+s3+$0x0] =	vst.idx.add.s32.msk $0xffff, v1  }
0xd8: {  	v10 =	vshrl.u32 v2, $0xF;
	v2 =	vand.u32 $0xFFFF, v4;
	[tilespmem:v12+s3+$0x0] =	vst.idx.add.s32.msk $0xffff, v1  }
0xd9: {  	v3 =	vshrl.u32 v3, $0xF;
	v4 =	vand.u32 $0xFFFF, v10;
	[tilespmem:v7+s3+$0x0] =	vst.idx.add.s32.msk $0xffff, v1  }
0xda: {  	v7 =	vshrl.u32 v9, $0xF;
	v9 =	vand.u32 $0xFFFF, v3;
	[tilespmem:v6+s3+$0x0] =	vst.idx.add.s32.msk $0xffff, v1  }
.Ltmp4:
0xdb: {  	v3 =	vand.u32 $0xFFFF, v7;
	[tilespmem:v13+s3+$0x0] =	vst.idx.add.s32.msk $0xffff, v1;
	(pc) =	sbr.rel @p1 .LBB2_7-.Ltmp4, $4  }
0xdc: {  	[tilespmem:v5+s3+$0x0] =	vst.idx.add.s32.msk $0xffff, v1  }
0xdd: {  	[tilespmem:v8+s3+$0x0] =	vst.idx.add.s32.msk $0xffff, v1  }
0xde: {  	[tilespmem:v4+s3+$0x0] =	vst.idx.add.s32.msk $0xffff, v1  }
0xdf: {  	[tilespmem:v9+s3+$0x0] =	vst.idx.add.s32.msk $0xffff, v1  }
0xe0: {  	_ = 	snop  }
.Ltmp5:
0xe1: {  	_ = 	snop;
	(pc) =	sbr.rel @p0 .LBB2_10-.Ltmp5, $3  }
0xe2: {  	_ =	sdelay $0x1  }
0xe3: {  	[tilespmem:v3+s3+$0x0] =	vst.idx.add.s32.msk $0xffff, v1  }
0xe4: {  	[tilespmem:v2+s3+$0x0] =	vst.idx.add.s32.msk $0xffff, v1  }
.Ltmp6:
0xe5: {  	(pc) =	sbr.rel .LBB2_4-.Ltmp6, $4  }
0xe6: {  	s17 =	sadd.s32 s17, s7  }
0xe7: {  	s17 =	sshrl.u32 s17, $0x3  }
0xe8: {  	s16 =	sadd.s32 $0x1, s16;
	s17 =	sadd.s32 s2, s17  }
0xe9: {  	[tilespmem:s11], [sflag:$0x2] =	stream.linear.gather [hbm4b:s17+s3], $0x4000, $0x38;
	[tilespmem:$0x18000] =	vst v63  }
.LBB2_11:
0xea: {  	_ =	sfence.sel $0x180000  }
0xeb: {  	[bflag:$0x0] =	sbarrier.arrive $0xFFFF  }
0xec: {  	p0 =	sne.s32 s1, $0x0;
	_ =	strace $0x90000047  }
0xed: {  	s0 =	sadd.s32 @!p0 $0x100000, s0;
	[bflag:$0x2] =	sbarrier.arrive $0xFFFF  }
0xee: {  	[sflag:s0] =	ssyncadd.tile.s32 @!p0 $0x1;
	_ =	shalt  }
.Lfunc_end2:
_tile_overlayer_lowered:
.L_overlay_start_2:
0xef: {  	(tag) =	ssettag $0x2  }
0xf0: {  	s0 =	rddreg [dreg:$0x0];
	s2 =	stileid.u32  }
0xf1: {  	s1 =	rddreg [dreg:$0x1];
	p0 =	sne.s32 s2, $0x0  }
0xf2: {  	s3 =	rddreg [dreg:$0x2];
	[bflag:$0x3] =	sbarrier.arrive $0xFFFF;
	s2 =	simm.s32 @!p0 $0x1C03  }
0xf3: {  	[timem:s3], [sflag:s2] =	dma.local @!p0 [hbm:s0], s1  }
0xf4: {  	s0 =	simm.s32 @!p0 $0x3  }
0xf5: {  	_ =	swait.ge @!p0 [sflag:s0], s1  }
0xf6: {  	s1 =	ssub.s32 @!p0 $0x0, s1;
	[sflag:s0] =	ssyncset.done @!p0 $0x0  }
0xf7: {  	[sflag:s0] =	ssyncadd.s32 @!p0 s1  }
0xf8: {  	[bflag:$0x3] =	sbarrier.arrive $0xFFFF  }
0xf9: {  	_ =	shalt  }

// kernel: kernel.9.cloned.1.call-start
scs
__scs_entry_jumppad:
0x0: {  	(pc) =	sbr.rel $0x88, $3  }
0x1: {  	(tag) =	ssettag $0x0;
	lr =	simm.s32 $0x1  }
0x2: {  	[smem:$0x3FA0] =	sst lr;
	_ =	strace $0xD0000000  }
0x3: {  	_ = 	snop  }
0x4: {  	_ = 	snop  }
0x5: {  	_ = 	snop  }
0x6: {  	_ = 	snop  }
0x7: {  	_ = 	snop  }
__scs_overlays_trampoline_lowered:
0x8: {  	[smem:$0x3FAF] =	sst s0  }
0x9: {  	[smem:$0x3FB0] =	sst s1  }
0xa: {  	[smem:$0x3FB1] =	sst s2  }
0xb: {  	[smem:$0x3FB2] =	sst s3  }
0xc: {  	[smem:$0x3FB3] =	sst s4  }
0xd: {  	[smem:$0x3FB4] =	sst s5  }
0xe: {  	[smem:$0x3FB5] =	sst s6  }
0xf: {  	[smem:$0x3FB6] =	sst s7  }
0x10: {  	[smem:$0x3FB7] =	sst s8  }
0x11: {  	[smem:$0x3FB8] =	sst s9;
	s0 =	simm.s32 @!p0 $0x0  }
0x12: {  	s1 =	sld [smem:$0x3F9E];
	s0 =	simm.s32 @p0 $0x1  }
0x13: {  	[smem:$0x3FB9] =	sst s0;
	s0 =	simm.s32 @!p1 $0x0  }
0x14: {  	s2 =	sld [smem:$0x3F9D];
	s0 =	simm.s32 @p1 $0x1  }
0x15: {  	[smem:$0x3FBA] =	sst s0;
	s0 =	simm.s32 @!p2 $0x0  }
0x16: {  	s3 =	sld [smem:$0x3FDB];
	s0 =	simm.s32 @p2 $0x1  }
0x17: {  	s4 =	simm.s32 $0x1BF5;
	[smem:$0x3FBC] =	sst s0  }
0x18: {  	s0 =	sld [smem:$0x3F9F];
	_ =	swait.ge [sflag:s4], $0x0  }
0x19: {  	s7 =	sld [smem:$0x3FA0]  }
0x1a: {  	s8 =	sadd.s32 $0xFFFFE003, lr  }
0x1b: {  	s9 =	sadd.s32 $0xFFFFFEF7, lr;
	s5 =	simm.s32 $0xFFFFFFFF;
	p2 =	slt.u32 s8, $0xFFFFF086  }
0x1c: {  	p1 =	slt.u32 s9, $0xF7A;
	s5 =	simm.s32 @!p2 $0x0  }
0x1d: {  	s5 =	simm.s32 @p1 $0x1;
	p0 =	seq.s32 s7, s2  }
0x1e: {  	s7 =	smul.u32 @!p0 $0xF7A, s2;
	p2 =	seq.s32 @!p0 s5, $0x0  }
0x1f: {  	s9 =	smul.u32 $0xF7A, s1;
	s8 =	simm.s32 @!p0 $0x1BF5;
	p2 =	por !p2, p0  }
0x20: {  	[sflag:s8] =	ssyncset.s32 @!p0 $0xFFFFF086;
	s6 =	sadd.s32 @!p0 s3, s7;
	s7 =	simm.s32 @!p0 $0x108  }
0x21: {  	s3 =	sadd.s32 s3, s9;
	s6 =	sadd.s32 @!p0 $0x88, s6;
	s7 =	simm.s32 @p2 $0x1082  }
0x22: {  	[simem:s7], [sflag:s8] =	dma.local @!p0 [hbm:s6], $0xF7A  }
0x23: {  	s9 =	sor.u32 $0xD0000000, s2;
	s6 =	simm.s32 $0x108;
	_ =	swait.ge @!p0 [sflag:s8], $0x0  }
0x24: {  	s3 =	sadd.s32 $0x88, s3;
	s6 =	simm.s32 @!p1 $0x1082;
	[sflag:s4] =	ssyncset.s32 $0xFFFFF086  }
0x25: {  	[simem:s6], [sflag:s4] =	dma.local [hbm:s3], $0xF7A  }
0x26: {  	[smem:$0x3FA0] =	sst s1;
	(tag) =	ssettag s2;
	_ =	strace s9  }
0x27: {  	s1 =	sld [smem:$0x3FB0]  }
0x28: {  	s2 =	sld [smem:$0x3FB1]  }
0x29: {  	s4 =	sld [smem:$0x3FB3]  }
0x2a: {  	p0 =	seq.s32 s5, $0x0;
	s5 =	sld [smem:$0x3FB4]  }
0x2b: {  	s6 =	sld [smem:$0x3FB5]  }
0x2c: {  	s7 =	sld [smem:$0x3FB6]  }
0x2d: {  	s3 =	simm.s32 $0x108;
	s8 =	sld [smem:$0x3FB7]  }
0x2e: {  	s3 =	simm.s32 @!p0 $0x1082;
	s9 =	sld [smem:$0x3FB8]  }
0x2f: {  	lr =	sadd.s32 s0, s3;
	s0 =	sld [smem:$0x3FAF]  }
0x30: {  	s3 =	sld [smem:$0x3FB2]  }
0x31: {  	[smem:$0x3FBB] =	sst s10  }
0x32: {  	s10 =	sld [smem:$0x3FB9];
	_ =	sdelay $0x3  }
0x33: {  	p0 =	seq.s32 s10, $0x1;
	s10 =	sld [smem:$0x3FBB];
	_ =	sdelay $0x3  }
0x34: {  	[smem:$0x3FBB] =	sst s10  }
0x35: {  	s10 =	sld [smem:$0x3FBA];
	_ =	sdelay $0x3  }
0x36: {  	p1 =	seq.s32 s10, $0x1;
	s10 =	sld [smem:$0x3FBB];
	_ =	sdelay $0x3  }
0x37: {  	[smem:$0x3FBB] =	sst s10  }
0x38: {  	s10 =	sld [smem:$0x3FBC]  }
0x39: {  	_ = 	snop;
	(pc) =	sbr.ind lr, $3  }
0x3a: {  	_ = 	snop  }
0x3b: {  	_ = 	snop  }
0x3c: {  	p2 =	seq.s32 s10, $0x1;
	s10 =	sld [smem:$0x3FBB]  }
0x3d: {  	_ =	shalt  }
0x3e: {  	_ =	shalt  }
0x3f: {  	_ =	shalt  }
0x40: {  	_ =	shalt  }
0x41: {  	_ =	shalt  }
0x42: {  	_ =	shalt  }
0x43: {  	_ =	shalt  }
0x44: {  	_ =	shalt  }
0x45: {  	_ =	shalt  }
0x46: {  	_ =	shalt  }
0x47: {  	_ =	shalt  }
0x48: {  	_ =	shalt  }
0x49: {  	_ =	shalt  }
0x4a: {  	_ =	shalt  }
0x4b: {  	_ =	shalt  }
0x4c: {  	_ =	shalt  }
0x4d: {  	_ =	shalt  }
0x4e: {  	_ =	shalt  }
0x4f: {  	_ =	shalt  }
0x50: {  	_ =	shalt  }
0x51: {  	_ =	shalt  }
0x52: {  	_ =	shalt  }
0x53: {  	_ =	shalt  }
0x54: {  	_ =	shalt  }
0x55: {  	_ =	shalt  }
0x56: {  	_ =	shalt  }
0x57: {  	_ =	shalt  }
0x58: {  	_ =	shalt  }
0x59: {  	_ =	shalt  }
0x5a: {  	_ =	shalt  }
0x5b: {  	_ =	shalt  }
0x5c: {  	_ =	shalt  }
0x5d: {  	_ =	shalt  }
0x5e: {  	_ =	shalt  }
0x5f: {  	_ =	shalt  }
0x60: {  	_ =	shalt  }
0x61: {  	_ =	shalt  }
0x62: {  	_ =	shalt  }
0x63: {  	_ =	shalt  }
0x64: {  	_ =	shalt  }
0x65: {  	_ =	shalt  }
0x66: {  	_ =	shalt  }
0x67: {  	_ =	shalt  }
0x68: {  	_ =	shalt  }
0x69: {  	_ =	shalt  }
0x6a: {  	_ =	shalt  }
0x6b: {  	_ =	shalt  }
0x6c: {  	_ =	shalt  }
0x6d: {  	_ =	shalt  }
0x6e: {  	_ =	shalt  }
0x6f: {  	_ =	shalt  }
0x70: {  	_ =	shalt  }
0x71: {  	_ =	shalt  }
0x72: {  	_ =	shalt  }
0x73: {  	_ =	shalt  }
0x74: {  	_ =	shalt  }
0x75: {  	_ =	shalt  }
0x76: {  	_ =	shalt  }
0x77: {  	_ =	shalt  }
0x78: {  	_ =	shalt  }
0x79: {  	_ =	shalt  }
0x7a: {  	_ =	shalt  }
0x7b: {  	_ =	shalt  }
0x7c: {  	_ =	shalt  }
0x7d: {  	_ =	shalt  }
0x7e: {  	_ =	shalt  }
0x7f: {  	_ =	shalt  }
0x80: {  	_ =	shalt  }
0x81: {  	_ =	shalt  }
0x82: {  	_ =	shalt  }
0x83: {  	_ =	shalt  }
0x84: {  	_ =	shalt  }
0x85: {  	_ =	shalt  }
0x86: {  	_ =	shalt  }
0x87: {  	_ =	shalt  }
.Lfunc_end0:
.L_simem_size_0:
called_computation.1_lowered:
.L_overlay_start_0:
0x88: {  	s2 =	sld [smem:$0x3FD9]  }
0x89: {  	s3 =	sld [smem:$0x3FFE];
	_ =	sdelay $0x1  }
0x8a: {  	s1 =	srdreg.scid  }
0x8b: {  	s0 =	sand.u32 $0x1, s1  }
0x8c: {  	s17 =	sshll.u32 s0, $0xA;
	s2 =	sadd.s32 s3, s2  }
0x8d: {  	s2 =	sadd.s32 s2, s17  }
0x8e: {  	[smem:$0x3FC7] =	sst s2  }
0x8f: {  	_ = 	snop  }
0x90: {  	s2 =	sld [smem:$0x3FC9]  }
0x91: {  	s18 =	sld [smem:$0x3FD0];
	(tm) =	ssettm $0x1  }
0x92: {  	s4 =	sld [smem:$0x3FFB];
	_ =	sdelay $0x3  }
0x93: {  	_ =	strace s4  }
0x94: {  	s4 =	sld [smem:$0x3FFC];
	_ =	sdelay $0x3  }
0x95: {  	_ =	strace s4  }
0x96: {  	s4 =	sld [smem:$0x3FFD];
	_ =	sdelay $0x3  }
0x97: {  	_ =	strace s4  }
0x98: {  	_ =	strace $0x8FFFFFFF  }
0x99: {  	s19 =	sld [smem:$0x3FDB];
	_ =	sdelay $0x1  }
0x9a: {  	s5 =	simm.s32 $_scs_section_size  }
0x9b: {  	s6 =	simm.s32 $_size__tile_overlayer_lowered;
	s7 =	simm.s32 $_tile_overlayer_lowered  }
0x9c: {  	s22 =	simm.s32 $0x1BFF;
	s21 =	sshll.u32 s7, $0x1;
	s4 =	sadd.s32 s5, s19  }
0x9d: {  	s8 =	simm.s32 $0x0;
	s20 =	sshll.u32 s6, $0x1;
	s6 =	sadd.s32 s21, s4  }
0x9e: {  	[timem:s8], [sflag:s22] =	dma.local [hbm:s6], s20  }
0x9f: {  	_ =	swait.ge [sflag:s22], s20  }
0xa0: {  	s5 =	ssub.s32 $0x0, s20;
	[sflag:s22] =	ssyncset.done $0x0  }
0xa1: {  	[sflag:s22] =	ssyncadd.s32 s5;
	_ =	sdelay $0x1  }
0xa2: {  	s23 =	simm.s32 $0x1B8B  }
0xa3: {  	_ =	swait.ge [sflag:s23], $0x1  }
0xa4: {  	[sflag:s23] =	ssyncset.done $0x0  }
0xa5: {  	s25 =	simm.s32 $0x1B8E;
	s24 =	sld [smem:$0x3FFE];
	[sflag:s23] =	ssyncadd.s32 $0xFFFFFFFF  }
0xa6: {  	s26 =	simm.s32 $execute0_lowered;
	[smem:$0x3FD2] =	sst s25  }
0xa7: {  	s6 =	sshll.u32 s26, $0x1;
	_ =	strace $0x80000049;
	[dreg:$0x1] =	wrdreg $0xFFFFFFFF  }
0xa8: {  	s28 =	simm.s32 $_size_execute0_lowered;
	s4 =	sadd.s32 s4, s6;
	[dreg:$0x0] =	wrdreg $0x0  }
0xa9: {  	s6 =	sshll.u32 s28, $0x1;
	[dreg:$0x2] =	wrdreg s4  }
0xaa: {  	[dreg:$0x3] =	wrdreg s6  }
0xab: {  	[dreg:$0x4] =	wrdreg $0xC0  }
0xac: {  	_ =	task [dreg:s8], $0x5FFFF  }
0xad: {  	[dreg:$0x1] =	wrdreg $0xFFFFFFFF  }
0xae: {  	[dreg:$0x0] =	wrdreg $0x60  }
0xaf: {  	[dreg:$0x2] =	wrdreg s2  }
0xb0: {  	[dreg:$0x3] =	wrdreg s24  }
0xb1: {  	[dreg:$0x4] =	wrdreg s18  }
0xb2: {  	[dreg:$0x5] =	wrdreg $0x9  }
0xb3: {  	_ =	task.clear_ibuf [dreg:s8], $0x6FFFF;
	_ =	strace $0x90000049  }
0xb4: {  	s29 =	simm.s32 $0x9;
	_ =	strace $0x8000004B  }
0xb5: {  	_ =	swait.ge [sflag:s29], $0x1  }
0xb6: {  	[sflag:s29] =	ssyncadd.s32 $0xFFFFFFFF  }
0xb7: {  	_ =	strace $0x9000004B  }
0xb8: {  	_ =	sfence  }
0xb9: {  	s30 =	sld [smem:$0x0];
	_ =	sdelay $0x2  }
0xba: {  	s31 =	sshll.u32 s1, $0xD;
	s1 =	sshrl.u32 s1, $0x2  }
0xbb: {  	s3 =	sand.u32 $0x4000, s31;
	s1 =	sadd.s32 s1, s30  }
0xbc: {  	s0 =	sor.u32 s3, s0;
	s1 =	sshll.u32 s1, $0x11  }
0xbd: {  	s0 =	sor.u32 s1, s0  }
0xbe: {  	s0 =	sadd.s32 $0x8F2B, s0  }
0xbf: {  	[sflag:s0] =	ssyncadd.remote.s32 $0x1  }
0xc0: {  	_ =	sfence.sel $0xFFFF  }
0xc1: {  	[dreg:$0x0] =	wrdreg $0xFFFFFFFF;
	(pc) =	sbr.abs _section_cstart, $3  }
0xc2: {  	[dreg:$0x1] =	wrdreg $0xFFFFFFFF  }
0xc3: {  	_ =	task.clear_ibuf [dreg:s8], $0x2FFFF;
	_ =	strace $0x9FFFFFFF  }
0xc4: {  	(tm) =	ssettm $0x7FFFFFFF  }
0xc5: {  	_ =	shalt  }
tec
execute0_lowered:
.L_overlay_start_1:
0x0: {  	(tag) =	ssettag $0x1  }
0x1: {  	s1 =	rddreg [dreg:$0x0]  }
0x2: {  	s4 =	rddreg [dreg:$0x1]  }
0x3: {  	s9 =	rddreg [dreg:$0x2]  }
0x4: {  	s0 =	rddreg [dreg:$0x3]  }
0x5: {  	s5 =	srdreg.scid;
	s2 =	stileid.u32  }
0x6: {  	s3 =	simm.s32 $0x0;
	s12 =	simm.s32 $0x3;
	s13 =	simm.s32 $0x8000  }
0x7: {  	s14 =	simm.s32 $0xC000;
	s15 =	simm.s32 $0x1;
	s16 =	simm.s32 $0x2  }
0x8: {  	s17 =	simm.s32 $0x0;
	s5 =	sand.u32 $0x1, s5;
	s6 =	sshll.u32 s2, $0x1  }
0x9: {  	[smem:$0x7FF] =	sst s3;
	s4 =	sadd.s32 $0x1000, s4;
	s10 =	sor.u32 s5, s6  }
.Ltmp0:
0xa: {  	_ =	strace $0x8000004A;
	s30 =	ssub.s32 $0x2, s5;
	(pc) =	sbr.rel .LBB2_1-.Ltmp0, $4  }
0xb: {  	s31 =	sshll.u32 s10, $0x10;
	s7 =	sshrl.u32 s30, $0x1;
	s8 =	sshll.u32 s10, $0x13  }
0xc: {  	s10 =	sshll.u32 s10, $0xC;
	s5 =	sadd.s32 s1, s31;
	s11 =	ssub.s32 s30, s7  }
0xd: {  	s7 =	sor.u32 $0x8000, s8;
	s8 =	sor.u32 $0xC000, s8;
	s9 =	sadd.s32 s9, s10  }
0xe: {  	v0 =	vimm.s32 $0x0;
	v1 =	vimm.s32 $0x1;
	s6 =	sadd.s32 $0x800, s5;
	s10 =	smax.u32 s11, $0x1;
	s11 =	simm.s32 $0x10000  }
.LBB2_10:
0xf: {  	s17 =	sadd.s32 $0x1, s17  }
0x10: {  	p0 =	sne.s32 s17, s10  }
.Ltmp1:
0x11: {  	_ = 	snop;
	(pc) =	sbr.rel @!p0 .LBB2_11-.Ltmp1, $4  }
0x12: {  	[hbm4b:s9+s3] =	stream.linear.scatter [tilespmem:s3], [sflag:$0x3], $0x8000, $0x38;
	[tilespmem:$0x10080] =	vst v63  }
0x13: {  	_ =	swait.ge [sflag:s12], $0x8000  }
0x14: {  	[sflag:s12] =	ssyncset.done $0x0  }
0x15: {  	[sflag:s12] =	ssyncadd.s32 $0xFFFF8000  }
.LBB2_1:
0x16: {  	[tilespmem:s11], [sflag:$0x3] =	stream.linear.gather [hbm4b:s4+s3], $0x10, $0x38;
	[tilespmem:$0x10080] =	vst v63  }
0x17: {  	_ =	swait.ge [sflag:s12], $0x10  }
0x18: {  	[sflag:s12] =	ssyncset.done $0x0  }
0x19: {  	s18 =	simm.s32 $0x100;
	[sflag:s12] =	ssyncadd.s32 $0xFFFFFFF0  }
0x1a: {  	v2 =	vld [tilespmem:$0x10000];
	[tilespmem:s18+$0xFFFFFF00] =	vst v0  }
0x1b: {  	[tilespmem:s18+$0xF0] =	vst v0  }
0x1c: {  	[tilespmem:s18+$0xE0] =	vst v0  }
0x1d: {  	[tilespmem:s18+$0xD0] =	vst v0  }
0x1e: {  	[tilespmem:s18+$0xC0] =	vst v0  }
0x1f: {  	[tilespmem:s18+$0xB0] =	vst v0  }
0x20: {  	[tilespmem:s18+$0xA0] =	vst v0  }
0x21: {  	[tilespmem:s18+$0x90] =	vst v0  }
0x22: {  	[tilespmem:s18+$0x80] =	vst v0  }
0x23: {  	[tilespmem:s18+$0x70] =	vst v0  }
0x24: {  	[tilespmem:s18+$0x60] =	vst v0  }
0x25: {  	[tilespmem:s18+$0x50] =	vst v0  }
0x26: {  	[tilespmem:s18+$0x40] =	vst v0  }
0x27: {  	[tilespmem:s18+$0x30] =	vst v0  }
0x28: {  	[tilespmem:s18+$0x20] =	vst v0  }
0x29: {  	[tilespmem:s18+$0x10] =	vst v0  }
0x2a: {  	[tilespmem:s18+$0x0] =	vst v0  }
0x2b: {  	[tilespmem:s18+$0xFFFFFFF0] =	vst v0  }
0x2c: {  	[tilespmem:s18+$0xFFFFFFE0] =	vst v0  }
0x2d: {  	[tilespmem:s18+$0xFFFFFFD0] =	vst v0  }
0x2e: {  	[tilespmem:s18+$0xFFFFFFC0] =	vst v0  }
0x2f: {  	[tilespmem:s18+$0xFFFFFFB0] =	vst v0  }
0x30: {  	[tilespmem:s18+$0xFFFFFFA0] =	vst v0  }
0x31: {  	[tilespmem:s18+$0xFFFFFF90] =	vst v0  }
0x32: {  	[tilespmem:s18+$0xFFFFFF80] =	vst v0  }
0x33: {  	[tilespmem:s18+$0xFFFFFF70] =	vst v0  }
0x34: {  	[tilespmem:s18+$0xFFFFFF60] =	vst v0  }
0x35: {  	[tilespmem:s18+$0xFFFFFF50] =	vst v0  }
0x36: {  	[tilespmem:s18+$0xFFFFFF40] =	vst v0  }
0x37: {  	[tilespmem:s18+$0xFFFFFF30] =	vst v0  }
0x38: {  	s19 =	simm.s32 $0x0;
	[tilespmem:s18+$0xFFFFFF20] =	vst v0  }
.LBB2_2:
0x39: {  	s19 =	sadd.s32 $0x4, s19;
	[tilespmem:s18+$0xFFFFFF10] =	vst v0;
	s18 =	sadd.s32 $0x200, s18  }
0x3a: {  	[tilespmem:s18+$0xFFFFFF00] =	vst v0;
	p0 =	slt.u32 s19, $0xFC  }
0x3b: {  	[tilespmem:s18+$0xF0] =	vst v0  }
0x3c: {  	[tilespmem:s18+$0xE0] =	vst v0  }
0x3d: {  	[tilespmem:s18+$0xD0] =	vst v0  }
0x3e: {  	[tilespmem:s18+$0xC0] =	vst v0  }
0x3f: {  	[tilespmem:s18+$0xB0] =	vst v0  }
0x40: {  	[tilespmem:s18+$0xA0] =	vst v0  }
0x41: {  	[tilespmem:s18+$0x90] =	vst v0  }
0x42: {  	[tilespmem:s18+$0x80] =	vst v0  }
0x43: {  	[tilespmem:s18+$0x70] =	vst v0  }
0x44: {  	[tilespmem:s18+$0x60] =	vst v0  }
0x45: {  	[tilespmem:s18+$0x50] =	vst v0  }
0x46: {  	[tilespmem:s18+$0x40] =	vst v0  }
0x47: {  	[tilespmem:s18+$0x30] =	vst v0  }
0x48: {  	[tilespmem:s18+$0x20] =	vst v0  }
0x49: {  	[tilespmem:s18+$0x10] =	vst v0  }
0x4a: {  	[tilespmem:s18+$0x0] =	vst v0  }
0x4b: {  	[tilespmem:s18+$0xFFFFFFF0] =	vst v0  }
0x4c: {  	[tilespmem:s18+$0xFFFFFFE0] =	vst v0  }
0x4d: {  	[tilespmem:s18+$0xFFFFFFD0] =	vst v0  }
0x4e: {  	[tilespmem:s18+$0xFFFFFFC0] =	vst v0  }
0x4f: {  	[tilespmem:s18+$0xFFFFFFB0] =	vst v0  }
0x50: {  	[tilespmem:s18+$0xFFFFFFA0] =	vst v0  }
0x51: {  	[tilespmem:s18+$0xFFFFFF90] =	vst v0  }
0x52: {  	[tilespmem:s18+$0xFFFFFF80] =	vst v0  }
0x53: {  	[tilespmem:s18+$0xFFFFFF70] =	vst v0  }
.Ltmp2:
0x54: {  	[tilespmem:s18+$0xFFFFFF60] =	vst v0;
	(pc) =	sbr.rel @p0 .LBB2_2-.Ltmp2, $4  }
0x55: {  	[tilespmem:s18+$0xFFFFFF50] =	vst v0  }
0x56: {  	[tilespmem:s18+$0xFFFFFF40] =	vst v0  }
0x57: {  	[tilespmem:s18+$0xFFFFFF30] =	vst v0  }
0x58: {  	[tilespmem:s18+$0xFFFFFF20] =	vst v0  }
0x59: {  	[tilespmem:s18+$0xFFFFFF10] =	vst v0;
	s18 =	simm.s32 $0x0  }
0x5a: {  	[tilespmem:s13], [sflag:$0x1] =	stream.linear.gather [hbm4b:s5+s18], $0x4000, $0x38;
	[tilespmem:$0x10080] =	vst v63  }
0x5b: {  	_ = 	snop  }
0x5c: {  	v2 =	vshll.u32 v2, $0xF;
	[tilespmem:s14], [sflag:$0x2] =	stream.linear.gather [hbm4b:s6+s18], $0x4000, $0x38;
	[tilespmem:$0x10080] =	vst v63  }
.LBB2_4:
0x5d: {  	_ =	swait.ge [sflag:s15], $0x4000  }
0x5e: {  	[sflag:s15] =	ssyncset.done $0x0  }
0x5f: {  	s19 =	simm.s32 $0x8080;
	[sflag:s15] =	ssyncadd.s32 $0xFFFFC000  }
0x60: {  	v3 =	vld [tilespmem:s19+$0xFFFFFFD0]  }
0x61: {  	v4 =	vld [tilespmem:s19+$0xFFFFFF80]  }
0x62: {  	v5 =	vld [tilespmem:s19+$0xFFFFFFB0]  }
0x63: {  	v6 =	vld [tilespmem:s19+$0x70]  }
0x64: {  	v8 =	vld [tilespmem:s19+$0x50]  }
0x65: {  	v10 =	vld [tilespmem:s19+$0x40]  }
0x66: {  	v50 =	vld [tilespmem:s19+$0x30];
	v9 =	vand.u32 $0x7FFF8000, v4  }
0x67: {  	v11 =	vld [tilespmem:s19+$0x20];
	vm0 =	veq.s32 v9, v2  }
0x68: {  	v13 =	vld [tilespmem:s19+$0x10];
	v4 =	vand.u32 $0x7FFF, v4  }
0x69: {  	v51 =	vld [tilespmem:s19+$0x0];
	v12 =	vand.u32 $0x7FFF8000, v6  }
0x6a: {  	v14 =	vld [tilespmem:s19+$0xFFFFFFF0];
	v52 =	vand.u32 $0x7FFF8000, v8;
	vm1 =	veq.s32 v12, v2  }
0x6b: {  	v53 =	vld [tilespmem:s19+$0xFFFFFFC0];
	v6 =	vand.u32 $0x7FFF, v6;
	v15 =	vand.u32 $0x7FFF8000, v10;
	vm3 =	veq.s32 v52, v2  }
0x6c: {  	v7 =	vld [tilespmem:s19+$0x60];
	v8 =	vand.u32 $0x7FFF, v8;
	vm2 =	veq.s32 v15, v2  }
0x6d: {  	v17 =	vand.u32 $0x7FFF8000, v50;
	v54 =	vand.u32 $0x7FFF8000, v11;
	[tilespmem:v4+s3+$0x0] =	vst.idx.add.s32.msk vm0, v1;
	v4 =	vand.u32 $0x7FFF, v10  }
0x6e: {  	v16 =	vld [tilespmem:s19+$0xFFFFFFE0];
	v55 =	vand.u32 $0x7FFF8000, v51;
	v11 =	vand.u32 $0x7FFF, v11;
	vm4 =	veq.s32 v54, v2  }
0x6f: {  	v56 =	vld [tilespmem:s19+$0xFFFFFFA0];
	v57 =	vand.u32 $0x7FFF8000, v14;
	v18 =	vand.u32 $0x7FFF8000, v13;
	vm0 =	veq.s32 v17, v2  }
0x70: {  	v59 =	vand.u32 $0x7FFF8000, v53;
	v9 =	vand.u32 $0x7FFF, v50;
	[tilespmem:v6+s3+$0x0] =	vst.idx.add.s32.msk vm1, v1;
	vm1 =	veq.s32 v55, v2  }
0x71: {  	v61 =	vand.u32 $0x7FFF8000, v3;
	v12 =	vand.u32 $0x7FFF, v51;
	vm6 =	veq.s32 v57, v2;
	[tilespmem:v8+s3+$0x0] =	vst.idx.add.s32.msk vm3, v1  }
0x72: {  	v6 =	vand.u32 $0x7FFF8000, v7;
	[tilespmem:v4+s3+$0x0] =	vst.idx.add.s32.msk vm2, v1;
	v4 =	vand.u32 $0x7FFF, v14;
	vm2 =	veq.s32 v18, v2  }
0x73: {  	v13 =	vand.u32 $0x7FFF, v13;
	vm7 =	veq.s32 v61, v2;
	vm5 =	veq.s32 v6, v2;
	v6 =	vld [tilespmem:s19+$0xFFFFFF90]  }
0x74: {  	v63 =	vand.u32 $0x7FFF, v3;
	vm3 =	veq.s32 v59, v2;
	[tilespmem:v11+s3+$0x0] =	vst.idx.add.s32.msk vm4, v1  }
0x75: {  	v58 =	vand.u32 $0x7FFF8000, v16;
	v62 =	vand.u32 $0x7FFF, v53;
	[tilespmem:v9+s3+$0x0] =	vst.idx.add.s32.msk vm0, v1  }
0x76: {  	v3 =	vand.u32 $0x7FFF8000, v5;
	v7 =	vand.u32 $0x7FFF, v7;
	vm0 =	veq.s32 v58, v2;
	[tilespmem:v12+s3+$0x0] =	vst.idx.add.s32.msk vm1, v1  }
0x77: {  	v60 =	vand.u32 $0x7FFF, v16;
	vm1 =	veq.s32 v3, v2;
	[tilespmem:v4+s3+$0x0] =	vst.idx.add.s32.msk vm6, v1;
	v4 =	vand.u32 $0x7FFF8000, v56  }
0x78: {  	v5 =	vand.u32 $0x7FFF, v5;
	v3 =	vand.u32 $0x7FFF8000, v6;
	[tilespmem:v13+s3+$0x0] =	vst.idx.add.s32.msk vm2, v1;
	vm2 =	veq.s32 v4, v2  }
0x79: {  	[tilespmem:v63+s3+$0x0] =	vst.idx.add.s32.msk vm7, v1;
	vm4 =	veq.s32 v3, v2;
	v3 =	vand.u32 $0x7FFF, v56  }
0x7a: {  	[tilespmem:v62+s3+$0x0] =	vst.idx.add.s32.msk vm3, v1;
	v4 =	vand.u32 $0x7FFF, v6  }
0x7b: {  	[tilespmem:v7+s3+$0x0] =	vst.idx.add.s32.msk vm5, v1  }
0x7c: {  	s20 =	simm.s32 $0x0;
	[tilespmem:v60+s3+$0x0] =	vst.idx.add.s32.msk vm0, v1  }
.LBB2_5:
0x7d: {  	s20 =	sadd.s32 $0x10, s20;
	[tilespmem:v5+s3+$0x0] =	vst.idx.add.s32.msk vm1, v1;
	s19 =	sadd.s32 $0x100, s19  }
0x7e: {  	p0 =	slt.u32 s20, $0x3F0;
	[tilespmem:v3+s3+$0x0] =	vst.idx.add.s32.msk vm2, v1  }
0x7f: {  	[tilespmem:v4+s3+$0x0] =	vst.idx.add.s32.msk vm4, v1  }
0x80: {  	v3 =	vld [tilespmem:s19+$0xFFFFFFD0]  }
0x81: {  	v4 =	vld [tilespmem:s19+$0xFFFFFF80]  }
0x82: {  	v5 =	vld [tilespmem:s19+$0xFFFFFFB0]  }
0x83: {  	v6 =	vld [tilespmem:s19+$0x70]  }
0x84: {  	v7 =	vld [tilespmem:s19+$0x60]  }
0x85: {  	v8 =	vld [tilespmem:s19+$0x50]  }
0x86: {  	v9 =	vand.u32 $0x7FFF8000, v4;
	v10 =	vld [tilespmem:s19+$0x40]  }
0x87: {  	vm2 =	veq.s32 v9, v2;
	v9 =	vld [tilespmem:s19+$0x30]  }
0x88: {  	v4 =	vand.u32 $0x7FFF, v4;
	v11 =	vld [tilespmem:s19+$0x20];
	v12 =	vand.u32 $0x7FFF8000, v6  }
0x89: {  	v13 =	vld [tilespmem:s19+$0x10];
	v14 =	vand.u32 $0x7FFF8000, v7;
	vm3 =	veq.s32 v12, v2  }
0x8a: {  	v6 =	vand.u32 $0x7FFF, v6;
	v12 =	vld [tilespmem:s19+$0x0];
	v15 =	vand.u32 $0x7FFF8000, v8  }
0x8b: {  	v7 =	vand.u32 $0x7FFF, v7;
	vm0 =	veq.s32 v14, v2;
	v16 =	vld [tilespmem:s19+$0xFFFFFFF0];
	v17 =	vand.u32 $0x7FFF8000, v10  }
0x8c: {  	vm1 =	veq.s32 v15, v2;
	v14 =	vld [tilespmem:s19+$0xFFFFFFE0];
	v18 =	vand.u32 $0x7FFF8000, v9;
	vm4 =	veq.s32 v17, v2  }
0x8d: {  	v10 =	vand.u32 $0x7FFF, v10;
	[tilespmem:v4+s3+$0x0] =	vst.idx.add.s32.msk vm2, v1;
	v4 =	vand.u32 $0x7FFF, v11;
	vm2 =	veq.s32 v18, v2  }
0x8e: {  	v9 =	vand.u32 $0x7FFF, v9;
	v11 =	vand.u32 $0x7FFF8000, v11;
	v15 =	vld [tilespmem:s19+$0xFFFFFFC0];
	v17 =	vand.u32 $0x7FFF8000, v13  }
0x8f: {  	v8 =	vand.u32 $0x7FFF, v8;
	vm5 =	veq.s32 v11, v2;
	v18 =	vand.u32 $0x7FFF8000, v12;
	[tilespmem:v6+s3+$0x0] =	vst.idx.add.s32.msk vm3, v1  }
0x90: {  	vm3 =	veq.s32 v17, v2;
	v6 =	vld [tilespmem:s19+$0xFFFFFFA0];
	v11 =	vand.u32 $0x7FFF, v16;
	vm6 =	veq.s32 v18, v2  }
0x91: {  	v12 =	vand.u32 $0x7FFF, v12;
	v16 =	vand.u32 $0x7FFF8000, v16;
	v17 =	vld [tilespmem:s19+$0xFFFFFF90];
	v18 =	vand.u32 $0x7FFF, v14  }
0x92: {  	v19 =	vand.u32 $0x7FFF, v3;
	v14 =	vand.u32 $0x7FFF8000, v14;
	vm7 =	veq.s32 v16, v2;
	[tilespmem:v10+s3+$0x0] =	vst.idx.add.s32.msk vm4, v1  }
0x93: {  	v3 =	vand.u32 $0x7FFF8000, v3;
	v13 =	vand.u32 $0x7FFF, v13;
	v10 =	vand.u32 $0x7FFF8000, v15;
	[tilespmem:v9+s3+$0x0] =	vst.idx.add.s32.msk vm2, v1  }
0x94: {  	vm9 =	veq.s32 v14, v2;
	v9 =	vand.u32 $0x7FFF8000, v5;
	vm8 =	veq.s32 v10, v2;
	[tilespmem:v8+s3+$0x0] =	vst.idx.add.s32.msk vm1, v1  }
0x95: {  	vm1 =	veq.s32 v9, v2;
	v9 =	vand.u32 $0x7FFF, v15;
	v8 =	vand.u32 $0x7FFF8000, v6;
	[tilespmem:v4+s3+$0x0] =	vst.idx.add.s32.msk vm5, v1  }
0x96: {  	vm5 =	veq.s32 v3, v2;
	v4 =	vand.u32 $0x7FFF8000, v17;
	vm2 =	veq.s32 v8, v2;
	[tilespmem:v12+s3+$0x0] =	vst.idx.add.s32.msk vm6, v1  }
0x97: {  	v5 =	vand.u32 $0x7FFF, v5;
	v3 =	vand.u32 $0x7FFF, v6;
	vm4 =	veq.s32 v4, v2;
	[tilespmem:v7+s3+$0x0] =	vst.idx.add.s32.msk vm0, v1  }
.Ltmp3:
0x98: {  	v4 =	vand.u32 $0x7FFF, v17;
	[tilespmem:v11+s3+$0x0] =	vst.idx.add.s32.msk vm7, v1;
	(pc) =	sbr.rel @p0 .LBB2_5-.Ltmp3, $4  }
0x99: {  	[tilespmem:v13+s3+$0x0] =	vst.idx.add.s32.msk vm3, v1  }
0x9a: {  	[tilespmem:v18+s3+$0x0] =	vst.idx.add.s32.msk vm9, v1  }
0x9b: {  	[tilespmem:v9+s3+$0x0] =	vst.idx.add.s32.msk vm8, v1  }
0x9c: {  	[tilespmem:v19+s3+$0x0] =	vst.idx.add.s32.msk vm5, v1  }
0x9d: {  	_ =	sdelay $0x3  }
0x9e: {  	s19 =	sshll.u32 s18, $0xF;
	p0 =	seq.s32 s18, $0xF  }
0x9f: {  	[tilespmem:v5+s3+$0x0] =	vst.idx.add.s32.msk vm1, v1;
	s20 =	sadd.s32 @!p0 s19, s7  }
0xa0: {  	[tilespmem:v3+s3+$0x0] =	vst.idx.add.s32.msk vm2, v1;
	s20 =	sshrl.u32 @!p0 s20, $0x3  }
0xa1: {  	[tilespmem:v4+s3+$0x0] =	vst.idx.add.s32.msk vm4, v1;
	s21 =	simm.s32 @!p0 $0x0;
	s22 =	simm.s32 @!p0 $0x8000;
	s20 =	sadd.s32 @!p0 s1, s20  }
0xa2: {  	[tilespmem:s22], [sflag:$0x1] =	stream.linear.gather @!p0 [hbm4b:s20+s21], $0x4000, $0x38;
	[tilespmem:$0x10080] =	vst v63  }
0xa3: {  	_ =	swait.ge [sflag:s16], $0x4000  }
0xa4: {  	[sflag:s16] =	ssyncset.done $0x0  }
0xa5: {  	s20 =	simm.s32 $0xC080;
	[sflag:s16] =	ssyncadd.s32 $0xFFFFC000  }
0xa6: {  	v3 =	vld [tilespmem:s20+$0xFFFFFFD0]  }
0xa7: {  	v4 =	vld [tilespmem:s20+$0xFFFFFF80]  }
0xa8: {  	v5 =	vld [tilespmem:s20+$0xFFFFFFB0]  }
0xa9: {  	v6 =	vld [tilespmem:s20+$0x70]  }
0xaa: {  	v7 =	vld [tilespmem:s20+$0x60]  }
0xab: {  	v8 =	vld [tilespmem:s20+$0x50]  }
0xac: {  	v10 =	vld [tilespmem:s20+$0x40];
	v9 =	vand.u32 $0x7FFF8000, v4  }
0xad: {  	v50 =	vld [tilespmem:s20+$0x30];
	vm0 =	veq.s32 v9, v2  }
0xae: {  	v11 =	vld [tilespmem:s20+$0x20];
	v4 =	vand.u32 $0x7FFF, v4  }
0xaf: {  	v51 =	vld [tilespmem:s20+$0x0];
	v12 =	vand.u32 $0x7FFF8000, v6  }
0xb0: {  	v14 =	vld [tilespmem:s20+$0xFFFFFFF0];
	v52 =	vand.u32 $0x7FFF8000, v8;
	vm1 =	veq.s32 v12, v2  }
0xb1: {  	v53 =	vld [tilespmem:s20+$0xFFFFFFC0];
	v6 =	vand.u32 $0x7FFF, v6;
	v15 =	vand.u32 $0x7FFF8000, v10;
	vm3 =	veq.s32 v52, v2  }
0xb2: {  	v13 =	vld [tilespmem:s20+$0x10];
	v8 =	vand.u32 $0x7FFF, v8;
	vm2 =	veq.s32 v15, v2  }
0xb3: {  	v54 =	vand.u32 $0x7FFF8000, v11;
	[tilespmem:v4+s3+$0x0] =	vst.idx.add.s32.msk vm0, v1;
	v4 =	vand.u32 $0x7FFF, v10  }
0xb4: {  	v16 =	vld [tilespmem:s20+$0xFFFFFFE0];
	v17 =	vand.u32 $0x7FFF8000, v50;
	v55 =	vand.u32 $0x7FFF8000, v51;
	vm4 =	veq.s32 v54, v2  }
0xb5: {  	v56 =	vld [tilespmem:s20+$0xFFFFFFA0];
	v11 =	vand.u32 $0x7FFF, v11;
	v57 =	vand.u32 $0x7FFF8000, v14;
	vm0 =	veq.s32 v17, v2  }
0xb6: {  	v59 =	vand.u32 $0x7FFF8000, v53;
	v9 =	vand.u32 $0x7FFF, v50;
	[tilespmem:v6+s3+$0x0] =	vst.idx.add.s32.msk vm1, v1;
	vm1 =	veq.s32 v55, v2  }
0xb7: {  	v61 =	vand.u32 $0x7FFF8000, v3;
	v12 =	vand.u32 $0x7FFF, v51;
	vm6 =	veq.s32 v57, v2;
	[tilespmem:v8+s3+$0x0] =	vst.idx.add.s32.msk vm3, v1  }
0xb8: {  	vm7 =	veq.s32 v59, v2;
	v6 =	vand.u32 $0x7FFF8000, v7;
	[tilespmem:v4+s3+$0x0] =	vst.idx.add.s32.msk vm2, v1;
	v4 =	vand.u32 $0x7FFF, v14  }
0xb9: {  	v62 =	vand.u32 $0x7FFF, v53;
	vm8 =	veq.s32 v61, v2;
	vm5 =	veq.s32 v6, v2;
	v6 =	vld [tilespmem:s20+$0xFFFFFF90]  }
0xba: {  	v18 =	vand.u32 $0x7FFF8000, v13;
	v63 =	vand.u32 $0x7FFF, v3;
	[tilespmem:v11+s3+$0x0] =	vst.idx.add.s32.msk vm4, v1  }
0xbb: {  	v58 =	vand.u32 $0x7FFF8000, v16;
	v7 =	vand.u32 $0x7FFF, v7;
	vm2 =	veq.s32 v18, v2;
	[tilespmem:v9+s3+$0x0] =	vst.idx.add.s32.msk vm0, v1  }
0xbc: {  	v13 =	vand.u32 $0x7FFF, v13;
	v3 =	vand.u32 $0x7FFF8000, v5;
	vm0 =	veq.s32 v58, v2;
	[tilespmem:v12+s3+$0x0] =	vst.idx.add.s32.msk vm1, v1  }
0xbd: {  	v60 =	vand.u32 $0x7FFF, v16;
	vm1 =	veq.s32 v3, v2;
	[tilespmem:v4+s3+$0x0] =	vst.idx.add.s32.msk vm6, v1;
	v4 =	vand.u32 $0x7FFF8000, v56  }
0xbe: {  	v5 =	vand.u32 $0x7FFF, v5;
	[tilespmem:v62+s3+$0x0] =	vst.idx.add.s32.msk vm7, v1;
	v3 =	vand.u32 $0x7FFF8000, v6;
	vm3 =	veq.s32 v4, v2  }
0xbf: {  	[tilespmem:v63+s3+$0x0] =	vst.idx.add.s32.msk vm8, v1;
	vm4 =	veq.s32 v3, v2;
	v3 =	vand.u32 $0x7FFF, v56  }
0xc0: {  	[tilespmem:v7+s3+$0x0] =	vst.idx.add.s32.msk vm5, v1;
	v4 =	vand.u32 $0x7FFF, v6  }
0xc1: {  	[tilespmem:v13+s3+$0x0] =	vst.idx.add.s32.msk vm2, v1  }
0xc2: {  	s21 =	simm.s32 $0x0;
	[tilespmem:v60+s3+$0x0] =	vst.idx.add.s32.msk vm0, v1  }
.LBB2_7:
0xc3: {  	s21 =	sadd.s32 $0x10, s21;
	[tilespmem:v5+s3+$0x0] =	vst.idx.add.s32.msk vm1, v1;
	s20 =	sadd.s32 $0x100, s20  }
0xc4: {  	p1 =	slt.u32 s21, $0x3F0;
	[tilespmem:v3+s3+$0x0] =	vst.idx.add.s32.msk vm3, v1  }
0xc5: {  	[tilespmem:v4+s3+$0x0] =	vst.idx.add.s32.msk vm4, v1  }
0xc6: {  	v3 =	vld [tilespmem:s20+$0xFFFFFFD0]  }
0xc7: {  	v4 =	vld [tilespmem:s20+$0xFFFFFF80]  }
0xc8: {  	v5 =	vld [tilespmem:s20+$0xFFFFFFB0]  }
0xc9: {  	v6 =	vld [tilespmem:s20+$0x70]  }
0xca: {  	v7 =	vld [tilespmem:s20+$0x60]  }
0xcb: {  	v8 =	vld [tilespmem:s20+$0x50]  }
0xcc: {  	v9 =	vand.u32 $0x7FFF8000, v4;
	v10 =	vld [tilespmem:s20+$0x40]  }
0xcd: {  	vm2 =	veq.s32 v9, v2;
	v9 =	vld [tilespmem:s20+$0x30]  }
0xce: {  	v4 =	vand.u32 $0x7FFF, v4;
	v11 =	vld [tilespmem:s20+$0x20];
	v12 =	vand.u32 $0x7FFF8000, v6  }
0xcf: {  	v13 =	vld [tilespmem:s20+$0x10];
	v14 =	vand.u32 $0x7FFF8000, v7;
	vm3 =	veq.s32 v12, v2  }
0xd0: {  	v6 =	vand.u32 $0x7FFF, v6;
	v12 =	vld [tilespmem:s20+$0x0];
	v15 =	vand.u32 $0x7FFF8000, v8  }
0xd1: {  	v7 =	vand.u32 $0x7FFF, v7;
	vm0 =	veq.s32 v14, v2;
	v16 =	vld [tilespmem:s20+$0xFFFFFFF0];
	v17 =	vand.u32 $0x7FFF8000, v10  }
0xd2: {  	vm1 =	veq.s32 v15, v2;
	v14 =	vld [tilespmem:s20+$0xFFFFFFE0];
	v18 =	vand.u32 $0x7FFF8000, v9;
	vm4 =	veq.s32 v17, v2  }
0xd3: {  	v10 =	vand.u32 $0x7FFF, v10;
	[tilespmem:v4+s3+$0x0] =	vst.idx.add.s32.msk vm2, v1;
	v4 =	vand.u32 $0x7FFF, v11;
	vm5 =	veq.s32 v18, v2  }
0xd4: {  	v9 =	vand.u32 $0x7FFF, v9;
	v11 =	vand.u32 $0x7FFF8000, v11;
	v15 =	vld [tilespmem:s20+$0xFFFFFFC0];
	v17 =	vand.u32 $0x7FFF8000, v13  }
0xd5: {  	v8 =	vand.u32 $0x7FFF, v8;
	vm6 =	veq.s32 v11, v2;
	v18 =	vand.u32 $0x7FFF8000, v12;
	[tilespmem:v6+s3+$0x0] =	vst.idx.add.s32.msk vm3, v1  }
0xd6: {  	vm2 =	veq.s32 v17, v2;
	v6 =	vld [tilespmem:s20+$0xFFFFFFA0];
	v11 =	vand.u32 $0x7FFF, v16;
	vm7 =	veq.s32 v18, v2  }
0xd7: {  	v12 =	vand.u32 $0x7FFF, v12;
	v16 =	vand.u32 $0x7FFF8000, v16;
	v17 =	vld [tilespmem:s20+$0xFFFFFF90];
	v18 =	vand.u32 $0x7FFF, v14  }
0xd8: {  	v19 =	vand.u32 $0x7FFF, v3;
	v14 =	vand.u32 $0x7FFF8000, v14;
	vm8 =	veq.s32 v16, v2;
	[tilespmem:v10+s3+$0x0] =	vst.idx.add.s32.msk vm4, v1  }
0xd9: {  	v3 =	vand.u32 $0x7FFF8000, v3;
	v13 =	vand.u32 $0x7FFF, v13;
	v10 =	vand.u32 $0x7FFF8000, v15;
	[tilespmem:v9+s3+$0x0] =	vst.idx.add.s32.msk vm5, v1  }
0xda: {  	vm9 =	veq.s32 v14, v2;
	v9 =	vand.u32 $0x7FFF8000, v5;
	vm5 =	veq.s32 v10, v2;
	[tilespmem:v8+s3+$0x0] =	vst.idx.add.s32.msk vm1, v1  }
0xdb: {  	vm1 =	veq.s32 v9, v2;
	v9 =	vand.u32 $0x7FFF, v15;
	v8 =	vand.u32 $0x7FFF8000, v6;
	[tilespmem:v4+s3+$0x0] =	vst.idx.add.s32.msk vm6, v1  }
0xdc: {  	vm6 =	veq.s32 v3, v2;
	v4 =	vand.u32 $0x7FFF8000, v17;
	vm3 =	veq.s32 v8, v2;
	[tilespmem:v12+s3+$0x0] =	vst.idx.add.s32.msk vm7, v1  }
0xdd: {  	v5 =	vand.u32 $0x7FFF, v5;
	v3 =	vand.u32 $0x7FFF, v6;
	vm4 =	veq.s32 v4, v2;
	[tilespmem:v7+s3+$0x0] =	vst.idx.add.s32.msk vm0, v1  }
.Ltmp4:
0xde: {  	v4 =	vand.u32 $0x7FFF, v17;
	[tilespmem:v11+s3+$0x0] =	vst.idx.add.s32.msk vm8, v1;
	(pc) =	sbr.rel @p1 .LBB2_7-.Ltmp4, $4  }
0xdf: {  	[tilespmem:v13+s3+$0x0] =	vst.idx.add.s32.msk vm2, v1  }
0xe0: {  	[tilespmem:v18+s3+$0x0] =	vst.idx.add.s32.msk vm9, v1  }
0xe1: {  	[tilespmem:v9+s3+$0x0] =	vst.idx.add.s32.msk vm5, v1  }
0xe2: {  	[tilespmem:v19+s3+$0x0] =	vst.idx.add.s32.msk vm6, v1  }
0xe3: {  	_ =	sdelay $0x2  }
.Ltmp5:
0xe4: {  	_ = 	snop;
	(pc) =	sbr.rel @p0 .LBB2_10-.Ltmp5, $4  }
0xe5: {  	_ = 	snop  }
0xe6: {  	[tilespmem:v5+s3+$0x0] =	vst.idx.add.s32.msk vm1, v1  }
0xe7: {  	[tilespmem:v3+s3+$0x0] =	vst.idx.add.s32.msk vm3, v1  }
0xe8: {  	[tilespmem:v4+s3+$0x0] =	vst.idx.add.s32.msk vm4, v1  }
.Ltmp6:
0xe9: {  	(pc) =	sbr.rel .LBB2_4-.Ltmp6, $4  }
0xea: {  	s19 =	sadd.s32 s19, s8  }
0xeb: {  	s19 =	sshrl.u32 s19, $0x3  }
0xec: {  	s18 =	sadd.s32 $0x1, s18;
	s19 =	sadd.s32 s1, s19  }
0xed: {  	[tilespmem:s14], [sflag:$0x2] =	stream.linear.gather [hbm4b:s19+s3], $0x4000, $0x38;
	[tilespmem:$0x10080] =	vst v63  }
.LBB2_11:
0xee: {  	_ =	sfence.sel $0x180000  }
0xef: {  	[bflag:$0x0] =	sbarrier.arrive $0xFFFF  }
0xf0: {  	p0 =	sne.s32 s2, $0x0;
	_ =	strace $0x9000004A  }
0xf1: {  	s0 =	sadd.s32 @!p0 $0x100000, s0;
	[bflag:$0x2] =	sbarrier.arrive $0xFFFF  }
0xf2: {  	[sflag:s0] =	ssyncadd.tile.s32 @!p0 $0x1;
	_ =	shalt  }
.Lfunc_end2:
_tile_overlayer_lowered:
.L_overlay_start_2:
0xf3: {  	(tag) =	ssettag $0x2  }
0xf4: {  	s0 =	rddreg [dreg:$0x0];
	s2 =	stileid.u32  }
0xf5: {  	s1 =	rddreg [dreg:$0x1];
	p0 =	sne.s32 s2, $0x0  }
0xf6: {  	s3 =	rddreg [dreg:$0x2];
	[bflag:$0x3] =	sbarrier.arrive $0xFFFF;
	s2 =	simm.s32 @!p0 $0x1C03  }
0xf7: {  	[timem:s3], [sflag:s2] =	dma.local @!p0 [hbm:s0], s1  }
0xf8: {  	s0 =	simm.s32 @!p0 $0x3  }
0xf9: {  	_ =	swait.ge @!p0 [sflag:s0], s1  }
0xfa: {  	s1 =	ssub.s32 @!p0 $0x0, s1;
	[sflag:s0] =	ssyncset.done @!p0 $0x0  }
0xfb: {  	[sflag:s0] =	ssyncadd.s32 @!p0 s1  }
0xfc: {  	[bflag:$0x3] =	sbarrier.arrive $0xFFFF  }
0xfd: {  	_ =	shalt  }

</sc_bundles>
